<compile_context>
chip_gen: v7x
topology: tpu7x:2x2x1
jax: 0.10.2.dev20260603
libtpu: 0.0.44.dev20260713+nightly
codegen_flags: <defaults>
</compile_context>

<pallas_src>
import functools

import jax
import jax.numpy as jnp
from jax import lax
from jax.experimental import pallas as pl
from jax.experimental.pallas import tpu as pltpu
from jax.experimental.pallas import tpu_sc as plsc

N = 10000
E = 160000
HID = 32

NC = 2
NS = 16
NW = NC * NS
CB = 128
CH = 40
EPT = CH * CB
E_PAD = NW * EPT
N_PAD = 10240
RPS = N_PAD // NS

_f32 = jnp.float32


def _mesh():
    return plsc.VectorSubcoreMesh(core_axis_name="c", subcore_axis_name="s")


KCH = 2
NBLK = CH // KCH


def _build_gather():
    KG = 2
    NBG = CH // KG

    @functools.partial(
        pl.kernel,
        out_type=jax.ShapeDtypeStruct((E_PAD, 128), _f32),
        mesh=_mesh(),
        scratch_types=[
            pltpu.VMEM((CH, CB), jnp.int32),
            pltpu.VMEM((KG * CB, 128), _f32),
            pltpu.SemaphoreType.DMA,
        ],
    )
    def gather(table_hbm, src_hbm, out_hbm, idx_v, rows_v, sem):
        c = lax.axis_index("c")
        s = lax.axis_index("s")
        w = c * NS + s
        pltpu.sync_copy(src_hbm.at[w], idx_v)

        def body(b, carry):
            descs = [
                pltpu.async_copy(table_hbm.at[idx_v.at[b * KG + t]],
                                 rows_v.at[pl.ds(t * CB, CB)], sem)
                for t in range(KG)
            ]
            for d in descs:
                d.wait()
            pltpu.sync_copy(
                rows_v, out_hbm.at[pl.ds(w * EPT + b * (KG * CB), KG * CB)])
            return carry

        lax.fori_loop(0, NBG, body, 0)

    return gather


def _build_counts():
    @functools.partial(
        pl.kernel,
        out_type=jax.ShapeDtypeStruct((NC, N_PAD, HID), _f32),
        mesh=_mesh(),
        scratch_types=[
            pltpu.VMEM((CH, CB), jnp.int32),
            pltpu.VMEM((CB, HID), _f32),
            pltpu.VMEM_SHARED((N_PAD, HID), _f32),
            pltpu.SemaphoreType.DMA,
        ],
    )
    def counts(dst_hbm, zeros_hbm, ones_hbm, cnt_out, idx_v, ones_v, cnt_sh,
               sem):
        c = lax.axis_index("c")
        s = lax.axis_index("s")
        w = c * NS + s
        pltpu.sync_copy(dst_hbm.at[w], idx_v)
        pltpu.sync_copy(ones_hbm, ones_v)
        pltpu.sync_copy(zeros_hbm.at[pl.ds(s * RPS, RPS)],
                        cnt_sh.at[pl.ds(s * RPS, RPS)])
        plsc.subcore_barrier()

        def body(b, carry):
            descs = [
                pltpu.async_copy(ones_v, cnt_sh.at[idx_v.at[b * KCH + t]],
                                 sem, add=True)
                for t in range(KCH)
            ]
            for d in descs:
                d.wait()
            return carry

        lax.fori_loop(0, NBLK, body, 0)
        plsc.subcore_barrier()
        pltpu.sync_copy(cnt_sh.at[pl.ds(s * RPS, RPS)],
                        cnt_out.at[c, pl.ds(s * RPS, RPS)])

    return counts


def _build_scatter(W):
    @functools.partial(
        pl.kernel,
        out_type=jax.ShapeDtypeStruct((NC, N_PAD, W), _f32),
        mesh=_mesh(),
        scratch_types=[
            pltpu.VMEM((CH, CB), jnp.int32),
            pltpu.VMEM((KCH * CB, W), _f32),
            pltpu.VMEM_SHARED((N_PAD, W), _f32),
            pltpu.SemaphoreType.DMA,
        ],
    )
    def scatter(msg_hbm, dst_hbm, zeros_hbm, agg_out, idx_v, msg_v, agg_sh,
                sem):
        c = lax.axis_index("c")
        s = lax.axis_index("s")
        w = c * NS + s
        pltpu.sync_copy(dst_hbm.at[w], idx_v)
        pltpu.sync_copy(zeros_hbm.at[pl.ds(s * RPS, RPS)],
                        agg_sh.at[pl.ds(s * RPS, RPS)])
        plsc.subcore_barrier()

        def body(b, carry):
            pltpu.sync_copy(
                msg_hbm.at[pl.ds(w * EPT + b * (KCH * CB), KCH * CB)], msg_v)
            descs = [
                pltpu.async_copy(msg_v.at[pl.ds(t * CB, CB)],
                                 agg_sh.at[idx_v.at[b * KCH + t]], sem,
                                 add=True)
                for t in range(KCH)
            ]
            for d in descs:
                d.wait()
            return carry

        lax.fori_loop(0, NBLK, body, 0)
        plsc.subcore_barrier()
        pltpu.sync_copy(agg_sh.at[pl.ds(s * RPS, RPS)],
                        agg_out.at[c, pl.ds(s * RPS, RPS)])

    return scatter


def _build_counts():
    @functools.partial(
        pl.kernel,
        out_type=jax.ShapeDtypeStruct((NC, N_PAD, HID), _f32),
        mesh=_mesh(),
        scratch_types=[
            pltpu.VMEM((CH, CB), jnp.int32),
            pltpu.VMEM((CB, HID), _f32),
            pltpu.VMEM_SHARED((N_PAD, HID), _f32),
            pltpu.SemaphoreType.DMA,
        ],
    )
    def counts(dst_hbm, zeros_hbm, ones_hbm, cnt_out, idx_v, ones_v, cnt_sh,
               sem):
        c = lax.axis_index("c")
        s = lax.axis_index("s")
        w = c * NS + s
        pltpu.sync_copy(dst_hbm.at[w], idx_v)
        pltpu.sync_copy(ones_hbm, ones_v)
        pltpu.sync_copy(zeros_hbm.at[pl.ds(s * RPS, RPS)],
                        cnt_sh.at[pl.ds(s * RPS, RPS)])
        plsc.subcore_barrier()

        def body(b, carry):
            descs = [
                pltpu.async_copy(ones_v, cnt_sh.at[idx_v.at[b * KCH + t]],
                                 sem, add=True)
                for t in range(KCH)
            ]
            for d in descs:
                d.wait()
            return carry

        lax.fori_loop(0, NBLK, body, 0)
        plsc.subcore_barrier()
        pltpu.sync_copy(cnt_sh.at[pl.ds(s * RPS, RPS)],
                        cnt_out.at[c, pl.ds(s * RPS, RPS)])

    return counts


_sc_gather = _build_gather()
_sc_scatter = _build_scatter(HID)
_sc_counts = _build_counts()


_BN1 = 1024
_TE2 = 2048
_TE = 1024
_BN5 = 512


def _h0_body(x_ref, t_ref, wt1_ref, bt1_ref, wt2_ref, bt2_ref, out_ref):
    t1 = jnp.maximum(
        jnp.dot(t_ref[...], wt1_ref[...], preferred_element_type=_f32)
        + bt1_ref[...], 0.0)
    t2 = jnp.maximum(
        jnp.dot(t1, wt2_ref[...], preferred_element_type=_f32)
        + bt2_ref[...], 0.0)
    pad = jnp.zeros((x_ref.shape[0], 128 - HID), _f32)
    out_ref[...] = jnp.concatenate([x_ref[...], t2, pad], axis=1)


def _z_body(ea_ref, we1_ref, be1_ref, out_ref):
    out_ref[...] = jnp.maximum(
        jnp.dot(ea_ref[...], we1_ref[...], preferred_element_type=_f32)
        + be1_ref[...], 0.0).astype(jnp.bfloat16)


def _msg_body(z_ref, h_ref, vcat_ref, esel_ref, bm_ref, out_ref):
    z = z_ref[...]
    h = h_ref[:, :HID].astype(jnp.bfloat16)
    g2 = jnp.dot(h, vcat_ref[...],
                 preferred_element_type=_f32).astype(jnp.bfloat16)
    z128 = jnp.concatenate([z, z, z, z], axis=1)
    z1024 = jnp.concatenate([z128] * 8, axis=1)
    out_ref[...] = (
        jnp.dot(z1024 * g2, esel_ref[...], preferred_element_type=_f32)
        + jnp.dot(h, bm_ref[...], preferred_element_type=_f32))


def _combine_body(a0_ref, a1_ref, c0_ref, c1_ref, h_ref, root_ref, bias_ref,
                  out_ref):
    denom = jnp.maximum(c0_ref[...] + c1_ref[...], 1.0)
    agg = (a0_ref[...] + a1_ref[...]) / denom
    h1 = jnp.maximum(
        agg + jnp.dot(h_ref[:, :HID], root_ref[...],
                      preferred_element_type=_f32)
        + bias_ref[...], 0.0)
    pad = jnp.zeros((h1.shape[0], 128 - HID), _f32)
    out_ref[...] = jnp.concatenate([h1, pad], axis=1)


def _combine_head_body(a0_ref, a1_ref, c0_ref, c1_ref, h_ref, root_ref,
                       bias_ref, wout_ref, bout_ref, out_ref):
    denom = jnp.maximum(c0_ref[...] + c1_ref[...], 1.0)
    agg = (a0_ref[...] + a1_ref[...]) / denom
    h2 = jnp.maximum(
        agg + jnp.dot(h_ref[:, :HID], root_ref[...],
                      preferred_element_type=_f32)
        + bias_ref[...], 0.0)
    logits = jnp.dot(h2, wout_ref[...], preferred_element_type=_f32) \
        + bout_ref[...]
    out_ref[...] = jax.nn.sigmoid(logits)


def _full(shape):
    return pl.BlockSpec(shape, lambda i: (0,) * len(shape))


def _rows(bn, w):
    return pl.BlockSpec((bn, w), lambda i: (i, 0))


def kernel(x, topo, edge_attr, edge_index, Wt1, bt1, Wt2, bt2, We1, be1,
           We2, be2, root1, bias1, root2, bias2, Wout, bout):
    node_in = x.shape[1]
    topo_in = topo.shape[1]
    tproj = Wt1.shape[1]
    edge_in = edge_attr.shape[1]

    xp = jnp.pad(x, ((0, N_PAD - N), (0, 0)))
    tp = jnp.pad(topo, ((0, N_PAD - N), (0, 0)))
    eap = jnp.pad(edge_attr, ((0, E_PAD - E), (0, 0)))
    src3 = jnp.pad(edge_index[0], (0, E_PAD - E)).reshape(NW, CH, CB)
    dst3 = jnp.pad(edge_index[1], (0, E_PAD - E),
                   constant_values=N).reshape(NW, CH, CB)
    Vcat2 = (We2.reshape(HID, HID, HID).transpose(1, 2, 0)
             .reshape(HID, HID * HID).astype(jnp.bfloat16))
    Esel = jnp.kron(jnp.eye(HID, dtype=_f32),
                    jnp.ones((HID, 1), _f32)).astype(jnp.bfloat16)
    Bm = be2.reshape(HID, HID)
    zeros_tab = jnp.zeros((N_PAD, HID), _f32)
    ones_blk = jnp.ones((CB, HID), _f32)
    bt1r = bt1.reshape(1, tproj)
    bt2r = bt2.reshape(1, tproj)
    be1r = be1.reshape(1, HID)
    b1r = bias1.reshape(1, HID)
    b2r = bias2.reshape(1, HID)
    boutr = bout.reshape(1, 1)

    h0 = pl.pallas_call(
        _h0_body,
        grid=(N_PAD // _BN1,),
        in_specs=[_rows(_BN1, node_in), _rows(_BN1, topo_in),
                  _full((topo_in, tproj)), _full((1, tproj)),
                  _full((tproj, tproj)), _full((1, tproj))],
        out_specs=_rows(_BN1, 128),
        out_shape=jax.ShapeDtypeStruct((N_PAD, 128), _f32),
    )(xp, tp, Wt1, bt1r, Wt2, bt2r)

    def msg_call(hsrc):
        return pl.pallas_call(
            _msg_body,
            grid=(E_PAD // _TE,),
            in_specs=[_rows(_TE, HID), _rows(_TE, 128),
                      _full((HID, HID * HID)), _full((HID * HID, HID)),
                      _full((HID, HID))],
            out_specs=_rows(_TE, HID),
            out_shape=jax.ShapeDtypeStruct((E_PAD, HID), _f32),
        )(z, hsrc, Vcat2, Esel, Bm)

    z = pl.pallas_call(
        _z_body,
        grid=(E_PAD // _TE2,),
        in_specs=[_rows(_TE2, edge_in), _full((edge_in, HID)),
                  _full((1, HID))],
        out_specs=_rows(_TE2, HID),
        out_shape=jax.ShapeDtypeStruct((E_PAD, HID), jnp.bfloat16),
    )(eap, We1, be1r)

    cntp = _sc_counts(dst3, zeros_tab, ones_blk)
    hsrc1 = _sc_gather(h0, src3)
    msg1 = msg_call(hsrc1)
    aggp1 = _sc_scatter(msg1, dst3, zeros_tab)

    h1 = pl.pallas_call(
        _combine_body,
        grid=(N_PAD // _BN5,),
        in_specs=[_rows(_BN5, HID)] * 4
        + [_rows(_BN5, 128), _full((HID, HID)), _full((1, HID))],
        out_specs=_rows(_BN5, 128),
        out_shape=jax.ShapeDtypeStruct((N_PAD, 128), _f32),
    )(aggp1[0], aggp1[1], cntp[0], cntp[1], h0, root1, b1r)

    hsrc2 = _sc_gather(h1, src3)
    msg2 = msg_call(hsrc2)
    aggp2 = _sc_scatter(msg2, dst3, zeros_tab)

    out = pl.pallas_call(
        _combine_head_body,
        grid=(N_PAD // _BN5,),
        in_specs=[_rows(_BN5, HID)] * 4
        + [_rows(_BN5, 128), _full((HID, HID)), _full((1, HID)),
           _full((HID, 1)), _full((1, 1))],
        out_specs=_rows(_BN5, 1),
        out_shape=jax.ShapeDtypeStruct((N_PAD, 1), _f32),
    )(aggp2[0], aggp2[1], cntp[0], cntp[1], h1, root2, b2r, Wout, boutr)

    return out[:N]

# --- scband reference (transcript-rebuilt; emitter-appended) ---
"""Pipeline reference for scband-gnnleak-detector-topo-12266426597590 (READ-ONLY COPY).

The authoritative reference and input builder live on the scoring server;
editing this copy changes nothing except your own understanding.
"""

import jax, jax.numpy as jnp
import numpy as np

N = 10000
E = 160000
NODE_IN = 16
TOPO_IN = 8
EDGE_IN = 4
HID = 32
TPROJ = 16


def setup_inputs(seed: int = 0):
    key = jax.random.key(seed)
    ks = jax.random.split(key, 16)
    p = lambda i, shape, s=0.1: jax.random.normal(ks[i], shape, jnp.float32) * s
    return {
        "x": jax.random.normal(ks[0], (N, NODE_IN), jnp.float32),
        "topo": jax.random.normal(ks[1], (N, TOPO_IN), jnp.float32),
        "edge_attr": jax.random.normal(ks[2], (E, EDGE_IN), jnp.float32),
        "edge_index": jax.random.randint(ks[3], (2, E), 0, N, jnp.int32),
        "Wt1": p(4, (TOPO_IN, TPROJ)),
        "bt1": jnp.zeros((TPROJ,), jnp.float32),
        "Wt2": p(5, (TPROJ, TPROJ)),
        "bt2": jnp.zeros((TPROJ,), jnp.float32),
        "We1": p(6, (EDGE_IN, HID)),
        "be1": jnp.zeros((HID,), jnp.float32),
        "We2": p(7, (HID, HID * HID), 0.02),
        "be2": jnp.zeros((HID * HID,), jnp.float32),
        "root1": p(8, (HID, HID)),
        "bias1": jnp.zeros((HID,), jnp.float32),
        "root2": p(9, (HID, HID)),
        "bias2": jnp.zeros((HID,), jnp.float32),
        "Wout": p(10, (HID, 1)),
        "bout": jnp.zeros((1,), jnp.float32),
    }


def _forward(x, topo, edge_attr, Wt1, bt1, Wt2, bt2, We1, be1, We2, be2,
             root1, bias1, root2, bias2, Wout, bout, edge_index):
    # SimpleTopoLayer: Linear-ReLU-Dropout(0)-Linear-ReLU
    topo_z = jax.nn.relu(jax.nn.relu(topo @ Wt1 + bt1) @ Wt2 + bt2)
    h = jnp.concatenate([x, topo_z], axis=1)  # [N, HID] since NODE_IN+TPROJ==HID
    # shared edge network (same nn_edge module in both NNConv layers)
    Wedge = (jax.nn.relu(edge_attr @ We1 + be1) @ We2 + be2).reshape(E, HID, HID)
    src = edge_index[0]
    dst = edge_index[1]
    cnt = jax.ops.segment_sum(jnp.ones((E,), jnp.float32), dst, num_segments=N)
    denom = jnp.clip(cnt, 1.0)[:, None]

    def nnconv(hh, root, bias):
        msg = jnp.einsum('ei,eio->eo', hh[src], Wedge)
        agg = jax.ops.segment_sum(msg, dst, num_segments=N) / denom  # aggr='mean'
        return agg + hh @ root + bias

    h = jax.nn.relu(nnconv(h, root1, bias1))
    h = jax.nn.relu(nnconv(h, root2, bias2))
    return jax.nn.sigmoid(h @ Wout + bout)


def reference(x, topo, edge_attr, edge_index, Wt1, bt1, Wt2, bt2, We1, be1,
              We2, be2, root1, bias1, root2, bias2, Wout, bout):
    return _forward(x, topo, edge_attr, Wt1, bt1, Wt2, bt2, We1, be1, We2, be2,
                    root1, bias1, root2, bias2, Wout, bout, edge_index)

if __name__ == "__main__":
    import jax
    _d = setup_inputs()
    print(jax.jit(kernel)(*tuple(_d.values())))

</pallas_src>

<mosaic_0001>
#map = affine_map<(d0, d1) -> (0, 0)>
#map1 = affine_map<(d0, d1) -> (0, 0, 0)>
module attributes {stable_mosaic.version = 14 : i64} {
  func.func @gather(%arg0: i32, %arg1: i32, %arg2: memref<10240x128xf32, #tpu.memory_space<hbm>>, %arg3: memref<32x40x128xi32, #tpu.memory_space<hbm>>, %arg4: memref<163840x128xf32, #tpu.memory_space<hbm>>, %arg5: memref<40x128xi32, #tpu.memory_space<vmem>>, %arg6: memref<256x128xf32, #tpu.memory_space<vmem>>, %arg7: memref<!tpu.dma_semaphore, #tpu.memory_space<semaphore_mem>>) attributes {dimension_semantics = [#tpu.dimension_semantics<core_parallel>, #tpu.dimension_semantics<subcore_parallel>], iteration_bounds = array<i64: 2, 16>, scalar_prefetch = 0 : i64, scratch_operands = 3 : i64, tpu.core_type = #tpu.core_type<sc_vector_subcore>, window_params = [{transform_indices = #map}, {transform_indices = #map1}, {transform_indices = #map}]} {
    %mul3A = arith.constant 16 : i32
    %mul3A_0 = arith.muli %arg0, %mul3A : i32
    %add3A = arith.addi %mul3A_0, %arg1 : i32
    "tpu.region"() ({
      %run_scoped3A = tpu.sem_alloc : memref<!tpu.dma_semaphore, #tpu.memory_space<semaphore_mem>>
      %dma_start3A = arith.constant 0 : i32
      %dma_start3A_6 = arith.constant 0 : i32
      %dma_start3A_7 = tpu.memref_slice %arg3[%add3A, %dma_start3A, %dma_start3A_6] : memref<32x40x128xi32, #tpu.memory_space<hbm>> -> memref<1x40x128xi32, #tpu.memory_space<hbm>>
      %dma_start3A_8 = tpu.memref_squeeze %dma_start3A_7 : memref<1x40x128xi32, #tpu.memory_space<hbm>> -> memref<40x128xi32, #tpu.memory_space<hbm>>
      %dma_start3A_9 = arith.constant 0 : i32
      %dma_start3A_10 = arith.constant 0 : i32
      %dma_start3A_11 = tpu.memref_slice %arg3[%add3A, %dma_start3A_9, %dma_start3A_10] : memref<32x40x128xi32, #tpu.memory_space<hbm>> -> memref<1x40x128xi32, #tpu.memory_space<hbm>>
      %dma_start3A_12 = tpu.memref_squeeze %dma_start3A_11 : memref<1x40x128xi32, #tpu.memory_space<hbm>> -> memref<40x128xi32, #tpu.memory_space<hbm>>
      tpu.enqueue_dma source(%dma_start3A_12 : memref<40x128xi32, #tpu.memory_space<hbm>>) target(%arg5 : memref<40x128xi32, #tpu.memory_space<vmem>>) target_semaphore(%run_scoped3A : memref<!tpu.dma_semaphore, #tpu.memory_space<semaphore_mem>>)
      %dma_wait3A = arith.constant 0 : i32
      %dma_wait3A_13 = arith.constant 0 : i32
      %dma_wait3A_14 = tpu.memref_slice %arg3[%add3A, %dma_wait3A, %dma_wait3A_13] : memref<32x40x128xi32, #tpu.memory_space<hbm>> -> memref<1x40x128xi32, #tpu.memory_space<hbm>>
      %dma_wait3A_15 = tpu.memref_squeeze %dma_wait3A_14 : memref<1x40x128xi32, #tpu.memory_space<hbm>> -> memref<40x128xi32, #tpu.memory_space<hbm>>
      %dma_wait3A_16 = arith.constant 0 : i32
      %dma_wait3A_17 = arith.constant 0 : i32
      %dma_wait3A_18 = tpu.memref_slice %arg3[%add3A, %dma_wait3A_16, %dma_wait3A_17] : memref<32x40x128xi32, #tpu.memory_space<hbm>> -> memref<1x40x128xi32, #tpu.memory_space<hbm>>
      %dma_wait3A_19 = tpu.memref_squeeze %dma_wait3A_18 : memref<1x40x128xi32, #tpu.memory_space<hbm>> -> memref<40x128xi32, #tpu.memory_space<hbm>>
      tpu.wait_dma2 semaphore(%run_scoped3A : memref<!tpu.dma_semaphore, #tpu.memory_space<semaphore_mem>>) src(%dma_wait3A_19 : memref<40x128xi32, #tpu.memory_space<hbm>>) dst(%arg5 : memref<40x128xi32, #tpu.memory_space<vmem>>)
      tpu.yield
    }) : () -> ()
    %scan3A = arith.constant 0 : i32
    %scan3A_1 = arith.constant 0 : i32
    %scan3A_2 = arith.constant 20 : i32
    %scan3A_3 = arith.addi %scan3A_1, %scan3A_2 : i32
    %scan3A_4 = arith.constant 1 : i32
    scf.for %scan3A_6 = %scan3A_1 to %scan3A_3 step %scan3A_4  : i32 {
      %mul3A_7 = arith.constant 2 : i32
      %mul3A_8 = arith.muli %scan3A_6, %mul3A_7 : i32
      %add3A_9 = arith.constant 0 : i32
      %add3A_10 = arith.addi %mul3A_8, %add3A_9 : i32
      %dma_start3A = arith.constant 0 : i32
      %dma_start3A_11 = arith.constant 0 : i32
      %dma_start3A_12 = tpu.memref_slice %arg6[%dma_start3A, %dma_start3A_11] : memref<256x128xf32, #tpu.memory_space<vmem>> -> memref<128x128xf32, #tpu.memory_space<vmem>>
      %dma_start3A_13 = arith.constant 0 : i32
      %dma_start3A_14 = tpu.memref_slice %arg5[%add3A_10, %dma_start3A_13] : memref<40x128xi32, #tpu.memory_space<vmem>> -> memref<1x128xi32, #tpu.memory_space<vmem>>
      %dma_start3A_15 = tpu.memref_squeeze %dma_start3A_14 : memref<1x128xi32, #tpu.memory_space<vmem>> -> memref<128xi32, #tpu.memory_space<vmem>>
      %dma_start3A_16 = arith.constant 0 : i32
      %dma_start3A_17 = arith.constant 0 : i32
      %dma_start3A_18 = tpu.memref_slice %arg2[%dma_start3A_16, %dma_start3A_17] : memref<10240x128xf32, #tpu.memory_space<hbm>> -> memref<10240x128xf32, #tpu.memory_space<hbm>>
      tpu.enqueue_indirect_dma source(%dma_start3A_18 : memref<10240x128xf32, #tpu.memory_space<hbm>>) target(%dma_start3A_12 : memref<128x128xf32, #tpu.memory_space<vmem>>) offsets(%dma_start3A_15 : memref<128xi32, #tpu.memory_space<vmem>>) semaphore(%arg7 : memref<!tpu.dma_semaphore, #tpu.memory_space<semaphore_mem>>)
      %mul3A_19 = arith.constant 2 : i32
      %mul3A_20 = arith.muli %scan3A_6, %mul3A_19 : i32
      %add3A_21 = arith.constant 1 : i32
      %add3A_22 = arith.addi %mul3A_20, %add3A_21 : i32
      %dma_start3A_23 = arith.constant 128 : i32
      %dma_start3A_24 = arith.constant 0 : i32
      %dma_start3A_25 = tpu.memref_slice %arg6[%dma_start3A_23, %dma_start3A_24] : memref<256x128xf32, #tpu.memory_space<vmem>> -> memref<128x128xf32, #tpu.memory_space<vmem>>
      %dma_start3A_26 = arith.constant 0 : i32
      %dma_start3A_27 = tpu.memref_slice %arg5[%add3A_22, %dma_start3A_26] : memref<40x128xi32, #tpu.memory_space<vmem>> -> memref<1x128xi32, #tpu.memory_space<vmem>>
      %dma_start3A_28 = tpu.memref_squeeze %dma_start3A_27 : memref<1x128xi32, #tpu.memory_space<vmem>> -> memref<128xi32, #tpu.memory_space<vmem>>
      %dma_start3A_29 = arith.constant 0 : i32
      %dma_start3A_30 = arith.constant 0 : i32
      %dma_start3A_31 = tpu.memref_slice %arg2[%dma_start3A_29, %dma_start3A_30] : memref<10240x128xf32, #tpu.memory_space<hbm>> -> memref<10240x128xf32, #tpu.memory_space<hbm>>
      tpu.enqueue_indirect_dma source(%dma_start3A_31 : memref<10240x128xf32, #tpu.memory_space<hbm>>) target(%dma_start3A_25 : memref<128x128xf32, #tpu.memory_space<vmem>>) offsets(%dma_start3A_28 : memref<128xi32, #tpu.memory_space<vmem>>) semaphore(%arg7 : memref<!tpu.dma_semaphore, #tpu.memory_space<semaphore_mem>>)
      %dma_wait3A = arith.constant 0 : i32
      %dma_wait3A_32 = arith.constant 0 : i32
      %dma_wait3A_33 = tpu.memref_slice %arg6[%dma_wait3A, %dma_wait3A_32] : memref<256x128xf32, #tpu.memory_space<vmem>> -> memref<128x128xf32, #tpu.memory_space<vmem>>
      %dma_wait3A_34 = arith.constant 0 : i32
      %dma_wait3A_35 = tpu.memref_slice %arg5[%add3A_10, %dma_wait3A_34] : memref<40x128xi32, #tpu.memory_space<vmem>> -> memref<1x128xi32, #tpu.memory_space<vmem>>
      %dma_wait3A_36 = tpu.memref_squeeze %dma_wait3A_35 : memref<1x128xi32, #tpu.memory_space<vmem>> -> memref<128xi32, #tpu.memory_space<vmem>>
      %dma_wait3A_37 = arith.constant 0 : i32
      %dma_wait3A_38 = arith.constant 0 : i32
      %dma_wait3A_39 = tpu.memref_slice %arg2[%dma_wait3A_37, %dma_wait3A_38] : memref<10240x128xf32, #tpu.memory_space<hbm>> -> memref<10240x128xf32, #tpu.memory_space<hbm>>
      tpu.wait_indirect_dma semaphore(%arg7 : memref<!tpu.dma_semaphore, #tpu.memory_space<semaphore_mem>>) src(%dma_wait3A_39 : memref<10240x128xf32, #tpu.memory_space<hbm>>) dst(%dma_wait3A_33 : memref<128x128xf32, #tpu.memory_space<vmem>>)
      %dma_wait3A_40 = arith.constant 128 : i32
      %dma_wait3A_41 = arith.constant 0 : i32
      %dma_wait3A_42 = tpu.memref_slice %arg6[%dma_wait3A_40, %dma_wait3A_41] : memref<256x128xf32, #tpu.memory_space<vmem>> -> memref<128x128xf32, #tpu.memory_space<vmem>>
      %dma_wait3A_43 = arith.constant 0 : i32
      %dma_wait3A_44 = tpu.memref_slice %arg5[%add3A_22, %dma_wait3A_43] : memref<40x128xi32, #tpu.memory_space<vmem>> -> memref<1x128xi32, #tpu.memory_space<vmem>>
      %dma_wait3A_45 = tpu.memref_squeeze %dma_wait3A_44 : memref<1x128xi32, #tpu.memory_space<vmem>> -> memref<128xi32, #tpu.memory_space<vmem>>
      %dma_wait3A_46 = arith.constant 0 : i32
      %dma_wait3A_47 = arith.constant 0 : i32
      %dma_wait3A_48 = tpu.memref_slice %arg2[%dma_wait3A_46, %dma_wait3A_47] : memref<10240x128xf32, #tpu.memory_space<hbm>> -> memref<10240x128xf32, #tpu.memory_space<hbm>>
      tpu.wait_indirect_dma semaphore(%arg7 : memref<!tpu.dma_semaphore, #tpu.memory_space<semaphore_mem>>) src(%dma_wait3A_48 : memref<10240x128xf32, #tpu.memory_space<hbm>>) dst(%dma_wait3A_42 : memref<128x128xf32, #tpu.memory_space<vmem>>)
      %mul3A_49 = arith.constant 5120 : i32
      %mul3A_50 = arith.muli %add3A, %mul3A_49 : i32
      %mul3A_51 = arith.constant 256 : i32
      %mul3A_52 = arith.muli %scan3A_6, %mul3A_51 : i32
      %add3A_53 = arith.addi %mul3A_50, %mul3A_52 : i32
      "tpu.region"() ({
        %run_scoped3A = tpu.sem_alloc : memref<!tpu.dma_semaphore, #tpu.memory_space<semaphore_mem>>
        %dma_start3A_54 = arith.constant 0 : i32
        %dma_start3A_55 = tpu.memref_slice %arg4[%add3A_53, %dma_start3A_54] : memref<163840x128xf32, #tpu.memory_space<hbm>> -> memref<256x128xf32, #tpu.memory_space<hbm>>
        %dma_start3A_56 = arith.constant 0 : i32
        %dma_start3A_57 = tpu.memref_slice %arg4[%add3A_53, %dma_start3A_56] : memref<163840x128xf32, #tpu.memory_space<hbm>> -> memref<256x128xf32, #tpu.memory_space<hbm>>
        tpu.enqueue_dma source(%arg6 : memref<256x128xf32, #tpu.memory_space<vmem>>) target(%dma_start3A_57 : memref<256x128xf32, #tpu.memory_space<hbm>>) target_semaphore(%run_scoped3A : memref<!tpu.dma_semaphore, #tpu.memory_space<semaphore_mem>>)
        %dma_wait3A_58 = arith.constant 0 : i32
        %dma_wait3A_59 = tpu.memref_slice %arg4[%add3A_53, %dma_wait3A_58] : memref<163840x128xf32, #tpu.memory_space<hbm>> -> memref<256x128xf32, #tpu.memory_space<hbm>>
        %dma_wait3A_60 = arith.constant 0 : i32
        %dma_wait3A_61 = tpu.memref_slice %arg4[%add3A_53, %dma_wait3A_60] : memref<163840x128xf32, #tpu.memory_space<hbm>> -> memref<256x128xf32, #tpu.memory_space<hbm>>
        tpu.wait_dma2 semaphore(%run_scoped3A : memref<!tpu.dma_semaphore, #tpu.memory_space<semaphore_mem>>) src(%arg6 : memref<256x128xf32, #tpu.memory_space<vmem>>) dst(%dma_wait3A_61 : memref<256x128xf32, #tpu.memory_space<hbm>>)
        tpu.yield
      }) : () -> ()
    }
    %scan3A_5 = arith.constant 20 : i32
    return
  }
}

#map = affine_map<(d0, d1) -> (0, 0)>
#map1 = affine_map<(d0, d1) -> (0, 0, 0)>
module attributes {stable_mosaic.version = 14 : i64} {
  func.func @scatter(%arg0: i32, %arg1: i32, %arg2: memref<163840x32xf32, #tpu.memory_space<hbm>>, %arg3: memref<32x40x128xi32, #tpu.memory_space<hbm>>, %arg4: memref<10240x32xf32, #tpu.memory_space<hbm>>, %arg5: memref<2x10240x32xf32, #tpu.memory_space<hbm>>, %arg6: memref<40x128xi32, #tpu.memory_space<vmem>>, %arg7: memref<256x32xf32, #tpu.memory_space<vmem>>, %arg8: memref<10240x32xf32, #tpu.memory_space<vmem_shared>>, %arg9: memref<!tpu.dma_semaphore, #tpu.memory_space<semaphore_mem>>) attributes {dimension_semantics = [#tpu.dimension_semantics<core_parallel>, #tpu.dimension_semantics<subcore_parallel>], iteration_bounds = array<i64: 2, 16>, scalar_prefetch = 0 : i64, scratch_operands = 4 : i64, tpu.core_type = #tpu.core_type<sc_vector_subcore>, window_params = [{transform_indices = #map}, {transform_indices = #map1}, {transform_indices = #map}, {transform_indices = #map1}]} {
    %mul3A = arith.constant 16 : i32
    %mul3A_0 = arith.muli %arg0, %mul3A : i32
    %add3A = arith.addi %mul3A_0, %arg1 : i32
    "tpu.region"() ({
      %run_scoped3A = tpu.sem_alloc : memref<!tpu.dma_semaphore, #tpu.memory_space<semaphore_mem>>
      %dma_start3A = arith.constant 0 : i32
      %dma_start3A_15 = arith.constant 0 : i32
      %dma_start3A_16 = tpu.memref_slice %arg3[%add3A, %dma_start3A, %dma_start3A_15] : memref<32x40x128xi32, #tpu.memory_space<hbm>> -> memref<1x40x128xi32, #tpu.memory_space<hbm>>
      %dma_start3A_17 = tpu.memref_squeeze %dma_start3A_16 : memref<1x40x128xi32, #tpu.memory_space<hbm>> -> memref<40x128xi32, #tpu.memory_space<hbm>>
      %dma_start3A_18 = arith.constant 0 : i32
      %dma_start3A_19 = arith.constant 0 : i32
      %dma_start3A_20 = tpu.memref_slice %arg3[%add3A, %dma_start3A_18, %dma_start3A_19] : memref<32x40x128xi32, #tpu.memory_space<hbm>> -> memref<1x40x128xi32, #tpu.memory_space<hbm>>
      %dma_start3A_21 = tpu.memref_squeeze %dma_start3A_20 : memref<1x40x128xi32, #tpu.memory_space<hbm>> -> memref<40x128xi32, #tpu.memory_space<hbm>>
      tpu.enqueue_dma source(%dma_start3A_21 : memref<40x128xi32, #tpu.memory_space<hbm>>) target(%arg6 : memref<40x128xi32, #tpu.memory_space<vmem>>) target_semaphore(%run_scoped3A : memref<!tpu.dma_semaphore, #tpu.memory_space<semaphore_mem>>)
      %dma_wait3A = arith.constant 0 : i32
      %dma_wait3A_22 = arith.constant 0 : i32
      %dma_wait3A_23 = tpu.memref_slice %arg3[%add3A, %dma_wait3A, %dma_wait3A_22] : memref<32x40x128xi32, #tpu.memory_space<hbm>> -> memref<1x40x128xi32, #tpu.memory_space<hbm>>
      %dma_wait3A_24 = tpu.memref_squeeze %dma_wait3A_23 : memref<1x40x128xi32, #tpu.memory_space<hbm>> -> memref<40x128xi32, #tpu.memory_space<hbm>>
      %dma_wait3A_25 = arith.constant 0 : i32
      %dma_wait3A_26 = arith.constant 0 : i32
      %dma_wait3A_27 = tpu.memref_slice %arg3[%add3A, %dma_wait3A_25, %dma_wait3A_26] : memref<32x40x128xi32, #tpu.memory_space<hbm>> -> memref<1x40x128xi32, #tpu.memory_space<hbm>>
      %dma_wait3A_28 = tpu.memref_squeeze %dma_wait3A_27 : memref<1x40x128xi32, #tpu.memory_space<hbm>> -> memref<40x128xi32, #tpu.memory_space<hbm>>
      tpu.wait_dma2 semaphore(%run_scoped3A : memref<!tpu.dma_semaphore, #tpu.memory_space<semaphore_mem>>) src(%dma_wait3A_28 : memref<40x128xi32, #tpu.memory_space<hbm>>) dst(%arg6 : memref<40x128xi32, #tpu.memory_space<vmem>>)
      tpu.yield
    }) : () -> ()
    %mul3A_1 = arith.constant 640 : i32
    %mul3A_2 = arith.muli %arg1, %mul3A_1 : i32
    %mul3A_3 = arith.constant 640 : i32
    %mul3A_4 = arith.muli %arg1, %mul3A_3 : i32
    "tpu.region"() ({
      %run_scoped3A = tpu.sem_alloc : memref<!tpu.dma_semaphore, #tpu.memory_space<semaphore_mem>>
      %dma_start3A = arith.constant 0 : i32
      %dma_start3A_15 = tpu.memref_slice %arg8[%mul3A_4, %dma_start3A] : memref<10240x32xf32, #tpu.memory_space<vmem_shared>> -> memref<640x32xf32, #tpu.memory_space<vmem_shared>>
      %dma_start3A_16 = arith.constant 0 : i32
      %dma_start3A_17 = tpu.memref_slice %arg4[%mul3A_2, %dma_start3A_16] : memref<10240x32xf32, #tpu.memory_space<hbm>> -> memref<640x32xf32, #tpu.memory_space<hbm>>
      tpu.enqueue_dma source(%dma_start3A_17 : memref<640x32xf32, #tpu.memory_space<hbm>>) target(%dma_start3A_15 : memref<640x32xf32, #tpu.memory_space<vmem_shared>>) target_semaphore(%run_scoped3A : memref<!tpu.dma_semaphore, #tpu.memory_space<semaphore_mem>>)
      %dma_wait3A = arith.constant 0 : i32
      %dma_wait3A_18 = tpu.memref_slice %arg8[%mul3A_4, %dma_wait3A] : memref<10240x32xf32, #tpu.memory_space<vmem_shared>> -> memref<640x32xf32, #tpu.memory_space<vmem_shared>>
      %dma_wait3A_19 = arith.constant 0 : i32
      %dma_wait3A_20 = tpu.memref_slice %arg4[%mul3A_2, %dma_wait3A_19] : memref<10240x32xf32, #tpu.memory_space<hbm>> -> memref<640x32xf32, #tpu.memory_space<hbm>>
      tpu.wait_dma2 semaphore(%run_scoped3A : memref<!tpu.dma_semaphore, #tpu.memory_space<semaphore_mem>>) src(%dma_wait3A_20 : memref<640x32xf32, #tpu.memory_space<hbm>>) dst(%dma_wait3A_18 : memref<640x32xf32, #tpu.memory_space<vmem_shared>>)
      tpu.yield
    }) : () -> ()
    %barrier3A = arith.constant 0 : index
    tpu.barrier barrier_id(%barrier3A)
    %scan3A = arith.constant 0 : i32
    %scan3A_5 = arith.constant 0 : i32
    %scan3A_6 = arith.constant 20 : i32
    %scan3A_7 = arith.addi %scan3A_5, %scan3A_6 : i32
    %scan3A_8 = arith.constant 1 : i32
    scf.for %scan3A_15 = %scan3A_5 to %scan3A_7 step %scan3A_8  : i32 {
      %mul3A_16 = arith.constant 5120 : i32
      %mul3A_17 = arith.muli %add3A, %mul3A_16 : i32
      %mul3A_18 = arith.constant 256 : i32
      %mul3A_19 = arith.muli %scan3A_15, %mul3A_18 : i32
      %add3A_20 = arith.addi %mul3A_17, %mul3A_19 : i32
      "tpu.region"() ({
        %run_scoped3A = tpu.sem_alloc : memref<!tpu.dma_semaphore, #tpu.memory_space<semaphore_mem>>
        %dma_start3A_63 = arith.constant 0 : i32
        %dma_start3A_64 = tpu.memref_slice %arg2[%add3A_20, %dma_start3A_63] : memref<163840x32xf32, #tpu.memory_space<hbm>> -> memref<256x32xf32, #tpu.memory_space<hbm>>
        %dma_start3A_65 = arith.constant 0 : i32
        %dma_start3A_66 = tpu.memref_slice %arg2[%add3A_20, %dma_start3A_65] : memref<163840x32xf32, #tpu.memory_space<hbm>> -> memref<256x32xf32, #tpu.memory_space<hbm>>
        tpu.enqueue_dma source(%dma_start3A_66 : memref<256x32xf32, #tpu.memory_space<hbm>>) target(%arg7 : memref<256x32xf32, #tpu.memory_space<vmem>>) target_semaphore(%run_scoped3A : memref<!tpu.dma_semaphore, #tpu.memory_space<semaphore_mem>>)
        %dma_wait3A_67 = arith.constant 0 : i32
        %dma_wait3A_68 = tpu.memref_slice %arg2[%add3A_20, %dma_wait3A_67] : memref<163840x32xf32, #tpu.memory_space<hbm>> -> memref<256x32xf32, #tpu.memory_space<hbm>>
        %dma_wait3A_69 = arith.constant 0 : i32
        %dma_wait3A_70 = tpu.memref_slice %arg2[%add3A_20, %dma_wait3A_69] : memref<163840x32xf32, #tpu.memory_space<hbm>> -> memref<256x32xf32, #tpu.memory_space<hbm>>
        tpu.wait_dma2 semaphore(%run_scoped3A : memref<!tpu.dma_semaphore, #tpu.memory_space<semaphore_mem>>) src(%dma_wait3A_70 : memref<256x32xf32, #tpu.memory_space<hbm>>) dst(%arg7 : memref<256x32xf32, #tpu.memory_space<vmem>>)
        tpu.yield
      }) : () -> ()
      %mul3A_21 = arith.constant 2 : i32
      %mul3A_22 = arith.muli %scan3A_15, %mul3A_21 : i32
      %add3A_23 = arith.constant 0 : i32
      %add3A_24 = arith.addi %mul3A_22, %add3A_23 : i32
      %dma_start3A = arith.constant 0 : i32
      %dma_start3A_25 = arith.constant 0 : i32
      %dma_start3A_26 = tpu.memref_slice %arg7[%dma_start3A, %dma_start3A_25] : memref<256x32xf32, #tpu.memory_space<vmem>> -> memref<128x32xf32, #tpu.memory_space<vmem>>
      %dma_start3A_27 = arith.constant 0 : i32
      %dma_start3A_28 = tpu.memref_slice %arg6[%add3A_24, %dma_start3A_27] : memref<40x128xi32, #tpu.memory_space<vmem>> -> memref<1x128xi32, #tpu.memory_space<vmem>>
      %dma_start3A_29 = tpu.memref_squeeze %dma_start3A_28 : memref<1x128xi32, #tpu.memory_space<vmem>> -> memref<128xi32, #tpu.memory_space<vmem>>
      %dma_start3A_30 = arith.constant 0 : i32
      %dma_start3A_31 = arith.constant 0 : i32
      %dma_start3A_32 = tpu.memref_slice %arg8[%dma_start3A_30, %dma_start3A_31] : memref<10240x32xf32, #tpu.memory_space<vmem_shared>> -> memref<10240x32xf32, #tpu.memory_space<vmem_shared>>
      tpu.enqueue_indirect_dma source(%dma_start3A_26 : memref<128x32xf32, #tpu.memory_space<vmem>>) target(%dma_start3A_32 : memref<10240x32xf32, #tpu.memory_space<vmem_shared>>) offsets(%dma_start3A_29 : memref<128xi32, #tpu.memory_space<vmem>>) semaphore(%arg9 : memref<!tpu.dma_semaphore, #tpu.memory_space<semaphore_mem>>) {add = true}
      %mul3A_33 = arith.constant 2 : i32
      %mul3A_34 = arith.muli %scan3A_15, %mul3A_33 : i32
      %add3A_35 = arith.constant 1 : i32
      %add3A_36 = arith.addi %mul3A_34, %add3A_35 : i32
      %dma_start3A_37 = arith.constant 128 : i32
      %dma_start3A_38 = arith.constant 0 : i32
      %dma_start3A_39 = tpu.memref_slice %arg7[%dma_start3A_37, %dma_start3A_38] : memref<256x32xf32, #tpu.memory_space<vmem>> -> memref<128x32xf32, #tpu.memory_space<vmem>>
      %dma_start3A_40 = arith.constant 0 : i32
      %dma_start3A_41 = tpu.memref_slice %arg6[%add3A_36, %dma_start3A_40] : memref<40x128xi32, #tpu.memory_space<vmem>> -> memref<1x128xi32, #tpu.memory_space<vmem>>
      %dma_start3A_42 = tpu.memref_squeeze %dma_start3A_41 : memref<1x128xi32, #tpu.memory_space<vmem>> -> memref<128xi32, #tpu.memory_space<vmem>>
      %dma_start3A_43 = arith.constant 0 : i32
      %dma_start3A_44 = arith.constant 0 : i32
      %dma_start3A_45 = tpu.memref_slice %arg8[%dma_start3A_43, %dma_start3A_44] : memref<10240x32xf32, #tpu.memory_space<vmem_shared>> -> memref<10240x32xf32, #tpu.memory_space<vmem_shared>>
      tpu.enqueue_indirect_dma source(%dma_start3A_39 : memref<128x32xf32, #tpu.memory_space<vmem>>) target(%dma_start3A_45 : memref<10240x32xf32, #tpu.memory_space<vmem_shared>>) offsets(%dma_start3A_42 : memref<128xi32, #tpu.memory_space<vmem>>) semaphore(%arg9 : memref<!tpu.dma_semaphore, #tpu.memory_space<semaphore_mem>>) {add = true}
      %dma_wait3A = arith.constant 0 : i32
      %dma_wait3A_46 = arith.constant 0 : i32
      %dma_wait3A_47 = tpu.memref_slice %arg7[%dma_wait3A, %dma_wait3A_46] : memref<256x32xf32, #tpu.memory_space<vmem>> -> memref<128x32xf32, #tpu.memory_space<vmem>>
      %dma_wait3A_48 = arith.constant 0 : i32
      %dma_wait3A_49 = tpu.memref_slice %arg6[%add3A_24, %dma_wait3A_48] : memref<40x128xi32, #tpu.memory_space<vmem>> -> memref<1x128xi32, #tpu.memory_space<vmem>>
      %dma_wait3A_50 = tpu.memref_squeeze %dma_wait3A_49 : memref<1x128xi32, #tpu.memory_space<vmem>> -> memref<128xi32, #tpu.memory_space<vmem>>
      %dma_wait3A_51 = arith.constant 0 : i32
      %dma_wait3A_52 = arith.constant 0 : i32
      %dma_wait3A_53 = tpu.memref_slice %arg8[%dma_wait3A_51, %dma_wait3A_52] : memref<10240x32xf32, #tpu.memory_space<vmem_shared>> -> memref<10240x32xf32, #tpu.memory_space<vmem_shared>>
      tpu.wait_indirect_dma semaphore(%arg9 : memref<!tpu.dma_semaphore, #tpu.memory_space<semaphore_mem>>) src(%dma_wait3A_47 : memref<128x32xf32, #tpu.memory_space<vmem>>) dst(%dma_wait3A_53 : memref<10240x32xf32, #tpu.memory_space<vmem_shared>>)
      %dma_wait3A_54 = arith.constant 128 : i32
      %dma_wait3A_55 = arith.constant 0 : i32
      %dma_wait3A_56 = tpu.memref_slice %arg7[%dma_wait3A_54, %dma_wait3A_55] : memref<256x32xf32, #tpu.memory_space<vmem>> -> memref<128x32xf32, #tpu.memory_space<vmem>>
      %dma_wait3A_57 = arith.constant 0 : i32
      %dma_wait3A_58 = tpu.memref_slice %arg6[%add3A_36, %dma_wait3A_57] : memref<40x128xi32, #tpu.memory_space<vmem>> -> memref<1x128xi32, #tpu.memory_space<vmem>>
      %dma_wait3A_59 = tpu.memref_squeeze %dma_wait3A_58 : memref<1x128xi32, #tpu.memory_space<vmem>> -> memref<128xi32, #tpu.memory_space<vmem>>
      %dma_wait3A_60 = arith.constant 0 : i32
      %dma_wait3A_61 = arith.constant 0 : i32
      %dma_wait3A_62 = tpu.memref_slice %arg8[%dma_wait3A_60, %dma_wait3A_61] : memref<10240x32xf32, #tpu.memory_space<vmem_shared>> -> memref<10240x32xf32, #tpu.memory_space<vmem_shared>>
      tpu.wait_indirect_dma semaphore(%arg9 : memref<!tpu.dma_semaphore, #tpu.memory_space<semaphore_mem>>) src(%dma_wait3A_56 : memref<128x32xf32, #tpu.memory_space<vmem>>) dst(%dma_wait3A_62 : memref<10240x32xf32, #tpu.memory_space<vmem_shared>>)
    }
    %scan3A_9 = arith.constant 20 : i32
    %barrier3A_10 = arith.constant 0 : index
    tpu.barrier barrier_id(%barrier3A_10)
    %mul3A_11 = arith.constant 640 : i32
    %mul3A_12 = arith.muli %arg1, %mul3A_11 : i32
    %mul3A_13 = arith.constant 640 : i32
    %mul3A_14 = arith.muli %arg1, %mul3A_13 : i32
    "tpu.region"() ({
      %run_scoped3A = tpu.sem_alloc : memref<!tpu.dma_semaphore, #tpu.memory_space<semaphore_mem>>
      %dma_start3A = arith.constant 0 : i32
      %dma_start3A_15 = tpu.memref_slice %arg5[%arg0, %mul3A_14, %dma_start3A] : memref<2x10240x32xf32, #tpu.memory_space<hbm>> -> memref<1x640x32xf32, #tpu.memory_space<hbm>>
      %dma_start3A_16 = tpu.memref_squeeze %dma_start3A_15 : memref<1x640x32xf32, #tpu.memory_space<hbm>> -> memref<640x32xf32, #tpu.memory_space<hbm>>
      %dma_start3A_17 = arith.constant 0 : i32
      %dma_start3A_18 = tpu.memref_slice %arg8[%mul3A_12, %dma_start3A_17] : memref<10240x32xf32, #tpu.memory_space<vmem_shared>> -> memref<640x32xf32, #tpu.memory_space<vmem_shared>>
      tpu.enqueue_dma source(%dma_start3A_18 : memref<640x32xf32, #tpu.memory_space<vmem_shared>>) target(%dma_start3A_16 : memref<640x32xf32, #tpu.memory_space<hbm>>) target_semaphore(%run_scoped3A : memref<!tpu.dma_semaphore, #tpu.memory_space<semaphore_mem>>)
      %dma_wait3A = arith.constant 0 : i32
      %dma_wait3A_19 = tpu.memref_slice %arg5[%arg0, %mul3A_14, %dma_wait3A] : memref<2x10240x32xf32, #tpu.memory_space<hbm>> -> memref<1x640x32xf32, #tpu.memory_space<hbm>>
      %dma_wait3A_20 = tpu.memref_squeeze %dma_wait3A_19 : memref<1x640x32xf32, #tpu.memory_space<hbm>> -> memref<640x32xf32, #tpu.memory_space<hbm>>
      %dma_wait3A_21 = arith.constant 0 : i32
      %dma_wait3A_22 = tpu.memref_slice %arg8[%mul3A_12, %dma_wait3A_21] : memref<10240x32xf32, #tpu.memory_space<vmem_shared>> -> memref<640x32xf32, #tpu.memory_space<vmem_shared>>
      tpu.wait_dma2 semaphore(%run_scoped3A : memref<!tpu.dma_semaphore, #tpu.memory_space<semaphore_mem>>) src(%dma_wait3A_22 : memref<640x32xf32, #tpu.memory_space<vmem_shared>>) dst(%dma_wait3A_20 : memref<640x32xf32, #tpu.memory_space<hbm>>)
      tpu.yield
    }) : () -> ()
    return
  }
}

#map = affine_map<(d0, d1) -> (0, 0, 0)>
#map1 = affine_map<(d0, d1) -> (0, 0)>
module attributes {stable_mosaic.version = 14 : i64} {
  func.func @counts(%arg0: i32, %arg1: i32, %arg2: memref<32x40x128xi32, #tpu.memory_space<hbm>>, %arg3: memref<10240x32xf32, #tpu.memory_space<hbm>>, %arg4: memref<128x32xf32, #tpu.memory_space<hbm>>, %arg5: memref<2x10240x32xf32, #tpu.memory_space<hbm>>, %arg6: memref<40x128xi32, #tpu.memory_space<vmem>>, %arg7: memref<128x32xf32, #tpu.memory_space<vmem>>, %arg8: memref<10240x32xf32, #tpu.memory_space<vmem_shared>>, %arg9: memref<!tpu.dma_semaphore, #tpu.memory_space<semaphore_mem>>) attributes {dimension_semantics = [#tpu.dimension_semantics<core_parallel>, #tpu.dimension_semantics<subcore_parallel>], iteration_bounds = array<i64: 2, 16>, scalar_prefetch = 0 : i64, scratch_operands = 4 : i64, tpu.core_type = #tpu.core_type<sc_vector_subcore>, window_params = [{transform_indices = #map}, {transform_indices = #map1}, {transform_indices = #map1}, {transform_indices = #map}]} {
    %mul3A = arith.constant 16 : i32
    %mul3A_0 = arith.muli %arg0, %mul3A : i32
    %add3A = arith.addi %mul3A_0, %arg1 : i32
    "tpu.region"() ({
      %run_scoped3A = tpu.sem_alloc : memref<!tpu.dma_semaphore, #tpu.memory_space<semaphore_mem>>
      %dma_start3A = arith.constant 0 : i32
      %dma_start3A_15 = arith.constant 0 : i32
      %dma_start3A_16 = tpu.memref_slice %arg2[%add3A, %dma_start3A, %dma_start3A_15] : memref<32x40x128xi32, #tpu.memory_space<hbm>> -> memref<1x40x128xi32, #tpu.memory_space<hbm>>
      %dma_start3A_17 = tpu.memref_squeeze %dma_start3A_16 : memref<1x40x128xi32, #tpu.memory_space<hbm>> -> memref<40x128xi32, #tpu.memory_space<hbm>>
      %dma_start3A_18 = arith.constant 0 : i32
      %dma_start3A_19 = arith.constant 0 : i32
      %dma_start3A_20 = tpu.memref_slice %arg2[%add3A, %dma_start3A_18, %dma_start3A_19] : memref<32x40x128xi32, #tpu.memory_space<hbm>> -> memref<1x40x128xi32, #tpu.memory_space<hbm>>
      %dma_start3A_21 = tpu.memref_squeeze %dma_start3A_20 : memref<1x40x128xi32, #tpu.memory_space<hbm>> -> memref<40x128xi32, #tpu.memory_space<hbm>>
      tpu.enqueue_dma source(%dma_start3A_21 : memref<40x128xi32, #tpu.memory_space<hbm>>) target(%arg6 : memref<40x128xi32, #tpu.memory_space<vmem>>) target_semaphore(%run_scoped3A : memref<!tpu.dma_semaphore, #tpu.memory_space<semaphore_mem>>)
      %dma_wait3A = arith.constant 0 : i32
      %dma_wait3A_22 = arith.constant 0 : i32
      %dma_wait3A_23 = tpu.memref_slice %arg2[%add3A, %dma_wait3A, %dma_wait3A_22] : memref<32x40x128xi32, #tpu.memory_space<hbm>> -> memref<1x40x128xi32, #tpu.memory_space<hbm>>
      %dma_wait3A_24 = tpu.memref_squeeze %dma_wait3A_23 : memref<1x40x128xi32, #tpu.memory_space<hbm>> -> memref<40x128xi32, #tpu.memory_space<hbm>>
      %dma_wait3A_25 = arith.constant 0 : i32
      %dma_wait3A_26 = arith.constant 0 : i32
      %dma_wait3A_27 = tpu.memref_slice %arg2[%add3A, %dma_wait3A_25, %dma_wait3A_26] : memref<32x40x128xi32, #tpu.memory_space<hbm>> -> memref<1x40x128xi32, #tpu.memory_space<hbm>>
      %dma_wait3A_28 = tpu.memref_squeeze %dma_wait3A_27 : memref<1x40x128xi32, #tpu.memory_space<hbm>> -> memref<40x128xi32, #tpu.memory_space<hbm>>
      tpu.wait_dma2 semaphore(%run_scoped3A : memref<!tpu.dma_semaphore, #tpu.memory_space<semaphore_mem>>) src(%dma_wait3A_28 : memref<40x128xi32, #tpu.memory_space<hbm>>) dst(%arg6 : memref<40x128xi32, #tpu.memory_space<vmem>>)
      tpu.yield
    }) : () -> ()
    "tpu.region"() ({
      %run_scoped3A = tpu.sem_alloc : memref<!tpu.dma_semaphore, #tpu.memory_space<semaphore_mem>>
      tpu.enqueue_dma source(%arg4 : memref<128x32xf32, #tpu.memory_space<hbm>>) target(%arg7 : memref<128x32xf32, #tpu.memory_space<vmem>>) target_semaphore(%run_scoped3A : memref<!tpu.dma_semaphore, #tpu.memory_space<semaphore_mem>>)
      tpu.wait_dma2 semaphore(%run_scoped3A : memref<!tpu.dma_semaphore, #tpu.memory_space<semaphore_mem>>) src(%arg4 : memref<128x32xf32, #tpu.memory_space<hbm>>) dst(%arg7 : memref<128x32xf32, #tpu.memory_space<vmem>>)
      tpu.yield
    }) : () -> ()
    %mul3A_1 = arith.constant 640 : i32
    %mul3A_2 = arith.muli %arg1, %mul3A_1 : i32
    %mul3A_3 = arith.constant 640 : i32
    %mul3A_4 = arith.muli %arg1, %mul3A_3 : i32
    "tpu.region"() ({
      %run_scoped3A = tpu.sem_alloc : memref<!tpu.dma_semaphore, #tpu.memory_space<semaphore_mem>>
      %dma_start3A = arith.constant 0 : i32
      %dma_start3A_15 = tpu.memref_slice %arg8[%mul3A_4, %dma_start3A] : memref<10240x32xf32, #tpu.memory_space<vmem_shared>> -> memref<640x32xf32, #tpu.memory_space<vmem_shared>>
      %dma_start3A_16 = arith.constant 0 : i32
      %dma_start3A_17 = tpu.memref_slice %arg3[%mul3A_2, %dma_start3A_16] : memref<10240x32xf32, #tpu.memory_space<hbm>> -> memref<640x32xf32, #tpu.memory_space<hbm>>
      tpu.enqueue_dma source(%dma_start3A_17 : memref<640x32xf32, #tpu.memory_space<hbm>>) target(%dma_start3A_15 : memref<640x32xf32, #tpu.memory_space<vmem_shared>>) target_semaphore(%run_scoped3A : memref<!tpu.dma_semaphore, #tpu.memory_space<semaphore_mem>>)
      %dma_wait3A = arith.constant 0 : i32
      %dma_wait3A_18 = tpu.memref_slice %arg8[%mul3A_4, %dma_wait3A] : memref<10240x32xf32, #tpu.memory_space<vmem_shared>> -> memref<640x32xf32, #tpu.memory_space<vmem_shared>>
      %dma_wait3A_19 = arith.constant 0 : i32
      %dma_wait3A_20 = tpu.memref_slice %arg3[%mul3A_2, %dma_wait3A_19] : memref<10240x32xf32, #tpu.memory_space<hbm>> -> memref<640x32xf32, #tpu.memory_space<hbm>>
      tpu.wait_dma2 semaphore(%run_scoped3A : memref<!tpu.dma_semaphore, #tpu.memory_space<semaphore_mem>>) src(%dma_wait3A_20 : memref<640x32xf32, #tpu.memory_space<hbm>>) dst(%dma_wait3A_18 : memref<640x32xf32, #tpu.memory_space<vmem_shared>>)
      tpu.yield
    }) : () -> ()
    %barrier3A = arith.constant 0 : index
    tpu.barrier barrier_id(%barrier3A)
    %scan3A = arith.constant 0 : i32
    %scan3A_5 = arith.constant 0 : i32
    %scan3A_6 = arith.constant 20 : i32
    %scan3A_7 = arith.addi %scan3A_5, %scan3A_6 : i32
    %scan3A_8 = arith.constant 1 : i32
    scf.for %scan3A_15 = %scan3A_5 to %scan3A_7 step %scan3A_8  : i32 {
      %mul3A_16 = arith.constant 2 : i32
      %mul3A_17 = arith.muli %scan3A_15, %mul3A_16 : i32
      %add3A_18 = arith.constant 0 : i32
      %add3A_19 = arith.addi %mul3A_17, %add3A_18 : i32
      %dma_start3A = arith.constant 0 : i32
      %dma_start3A_20 = tpu.memref_slice %arg6[%add3A_19, %dma_start3A] : memref<40x128xi32, #tpu.memory_space<vmem>> -> memref<1x128xi32, #tpu.memory_space<vmem>>
      %dma_start3A_21 = tpu.memref_squeeze %dma_start3A_20 : memref<1x128xi32, #tpu.memory_space<vmem>> -> memref<128xi32, #tpu.memory_space<vmem>>
      %dma_start3A_22 = arith.constant 0 : i32
      %dma_start3A_23 = arith.constant 0 : i32
      %dma_start3A_24 = tpu.memref_slice %arg8[%dma_start3A_22, %dma_start3A_23] : memref<10240x32xf32, #tpu.memory_space<vmem_shared>> -> memref<10240x32xf32, #tpu.memory_space<vmem_shared>>
      tpu.enqueue_indirect_dma source(%arg7 : memref<128x32xf32, #tpu.memory_space<vmem>>) target(%dma_start3A_24 : memref<10240x32xf32, #tpu.memory_space<vmem_shared>>) offsets(%dma_start3A_21 : memref<128xi32, #tpu.memory_space<vmem>>) semaphore(%arg9 : memref<!tpu.dma_semaphore, #tpu.memory_space<semaphore_mem>>) {add = true}
      %mul3A_25 = arith.constant 2 : i32
      %mul3A_26 = arith.muli %scan3A_15, %mul3A_25 : i32
      %add3A_27 = arith.constant 1 : i32
      %add3A_28 = arith.addi %mul3A_26, %add3A_27 : i32
      %dma_start3A_29 = arith.constant 0 : i32
      %dma_start3A_30 = tpu.memref_slice %arg6[%add3A_28, %dma_start3A_29] : memref<40x128xi32, #tpu.memory_space<vmem>> -> memref<1x128xi32, #tpu.memory_space<vmem>>
      %dma_start3A_31 = tpu.memref_squeeze %dma_start3A_30 : memref<1x128xi32, #tpu.memory_space<vmem>> -> memref<128xi32, #tpu.memory_space<vmem>>
      %dma_start3A_32 = arith.constant 0 : i32
      %dma_start3A_33 = arith.constant 0 : i32
      %dma_start3A_34 = tpu.memref_slice %arg8[%dma_start3A_32, %dma_start3A_33] : memref<10240x32xf32, #tpu.memory_space<vmem_shared>> -> memref<10240x32xf32, #tpu.memory_space<vmem_shared>>
      tpu.enqueue_indirect_dma source(%arg7 : memref<128x32xf32, #tpu.memory_space<vmem>>) target(%dma_start3A_34 : memref<10240x32xf32, #tpu.memory_space<vmem_shared>>) offsets(%dma_start3A_31 : memref<128xi32, #tpu.memory_space<vmem>>) semaphore(%arg9 : memref<!tpu.dma_semaphore, #tpu.memory_space<semaphore_mem>>) {add = true}
      %dma_wait3A = arith.constant 0 : i32
      %dma_wait3A_35 = tpu.memref_slice %arg6[%add3A_19, %dma_wait3A] : memref<40x128xi32, #tpu.memory_space<vmem>> -> memref<1x128xi32, #tpu.memory_space<vmem>>
      %dma_wait3A_36 = tpu.memref_squeeze %dma_wait3A_35 : memref<1x128xi32, #tpu.memory_space<vmem>> -> memref<128xi32, #tpu.memory_space<vmem>>
      %dma_wait3A_37 = arith.constant 0 : i32
      %dma_wait3A_38 = arith.constant 0 : i32
      %dma_wait3A_39 = tpu.memref_slice %arg8[%dma_wait3A_37, %dma_wait3A_38] : memref<10240x32xf32, #tpu.memory_space<vmem_shared>> -> memref<10240x32xf32, #tpu.memory_space<vmem_shared>>
      tpu.wait_indirect_dma semaphore(%arg9 : memref<!tpu.dma_semaphore, #tpu.memory_space<semaphore_mem>>) src(%arg7 : memref<128x32xf32, #tpu.memory_space<vmem>>) dst(%dma_wait3A_39 : memref<10240x32xf32, #tpu.memory_space<vmem_shared>>)
      %dma_wait3A_40 = arith.constant 0 : i32
      %dma_wait3A_41 = tpu.memref_slice %arg6[%add3A_28, %dma_wait3A_40] : memref<40x128xi32, #tpu.memory_space<vmem>> -> memref<1x128xi32, #tpu.memory_space<vmem>>
      %dma_wait3A_42 = tpu.memref_squeeze %dma_wait3A_41 : memref<1x128xi32, #tpu.memory_space<vmem>> -> memref<128xi32, #tpu.memory_space<vmem>>
      %dma_wait3A_43 = arith.constant 0 : i32
      %dma_wait3A_44 = arith.constant 0 : i32
      %dma_wait3A_45 = tpu.memref_slice %arg8[%dma_wait3A_43, %dma_wait3A_44] : memref<10240x32xf32, #tpu.memory_space<vmem_shared>> -> memref<10240x32xf32, #tpu.memory_space<vmem_shared>>
      tpu.wait_indirect_dma semaphore(%arg9 : memref<!tpu.dma_semaphore, #tpu.memory_space<semaphore_mem>>) src(%arg7 : memref<128x32xf32, #tpu.memory_space<vmem>>) dst(%dma_wait3A_45 : memref<10240x32xf32, #tpu.memory_space<vmem_shared>>)
    }
    %scan3A_9 = arith.constant 20 : i32
    %barrier3A_10 = arith.constant 0 : index
    tpu.barrier barrier_id(%barrier3A_10)
    %mul3A_11 = arith.constant 640 : i32
    %mul3A_12 = arith.muli %arg1, %mul3A_11 : i32
    %mul3A_13 = arith.constant 640 : i32
    %mul3A_14 = arith.muli %arg1, %mul3A_13 : i32
    "tpu.region"() ({
      %run_scoped3A = tpu.sem_alloc : memref<!tpu.dma_semaphore, #tpu.memory_space<semaphore_mem>>
      %dma_start3A = arith.constant 0 : i32
      %dma_start3A_15 = tpu.memref_slice %arg5[%arg0, %mul3A_14, %dma_start3A] : memref<2x10240x32xf32, #tpu.memory_space<hbm>> -> memref<1x640x32xf32, #tpu.memory_space<hbm>>
      %dma_start3A_16 = tpu.memref_squeeze %dma_start3A_15 : memref<1x640x32xf32, #tpu.memory_space<hbm>> -> memref<640x32xf32, #tpu.memory_space<hbm>>
      %dma_start3A_17 = arith.constant 0 : i32
      %dma_start3A_18 = tpu.memref_slice %arg8[%mul3A_12, %dma_start3A_17] : memref<10240x32xf32, #tpu.memory_space<vmem_shared>> -> memref<640x32xf32, #tpu.memory_space<vmem_shared>>
      tpu.enqueue_dma source(%dma_start3A_18 : memref<640x32xf32, #tpu.memory_space<vmem_shared>>) target(%dma_start3A_16 : memref<640x32xf32, #tpu.memory_space<hbm>>) target_semaphore(%run_scoped3A : memref<!tpu.dma_semaphore, #tpu.memory_space<semaphore_mem>>)
      %dma_wait3A = arith.constant 0 : i32
      %dma_wait3A_19 = tpu.memref_slice %arg5[%arg0, %mul3A_14, %dma_wait3A] : memref<2x10240x32xf32, #tpu.memory_space<hbm>> -> memref<1x640x32xf32, #tpu.memory_space<hbm>>
      %dma_wait3A_20 = tpu.memref_squeeze %dma_wait3A_19 : memref<1x640x32xf32, #tpu.memory_space<hbm>> -> memref<640x32xf32, #tpu.memory_space<hbm>>
      %dma_wait3A_21 = arith.constant 0 : i32
      %dma_wait3A_22 = tpu.memref_slice %arg8[%mul3A_12, %dma_wait3A_21] : memref<10240x32xf32, #tpu.memory_space<vmem_shared>> -> memref<640x32xf32, #tpu.memory_space<vmem_shared>>
      tpu.wait_dma2 semaphore(%run_scoped3A : memref<!tpu.dma_semaphore, #tpu.memory_space<semaphore_mem>>) src(%dma_wait3A_22 : memref<640x32xf32, #tpu.memory_space<vmem_shared>>) dst(%dma_wait3A_20 : memref<640x32xf32, #tpu.memory_space<hbm>>)
      tpu.yield
    }) : () -> ()
    return
  }
}

#map = affine_map<(d0, d1) -> (0, 0)>
#map1 = affine_map<(d0, d1) -> (0, 0, 0)>
module attributes {stable_mosaic.version = 14 : i64} {
  func.func @gather(%arg0: i32, %arg1: i32, %arg2: memref<10240x128xf32, #tpu.memory_space<hbm>>, %arg3: memref<32x40x128xi32, #tpu.memory_space<hbm>>, %arg4: memref<163840x128xf32, #tpu.memory_space<hbm>>, %arg5: memref<40x128xi32, #tpu.memory_space<vmem>>, %arg6: memref<256x128xf32, #tpu.memory_space<vmem>>, %arg7: memref<!tpu.dma_semaphore, #tpu.memory_space<semaphore_mem>>) attributes {dimension_semantics = [#tpu.dimension_semantics<core_parallel>, #tpu.dimension_semantics<subcore_parallel>], iteration_bounds = array<i64: 2, 16>, scalar_prefetch = 0 : i64, scratch_operands = 3 : i64, tpu.core_type = #tpu.core_type<sc_vector_subcore>, window_params = [{transform_indices = #map}, {transform_indices = #map1}, {transform_indices = #map}]} {
    %mul3A = arith.constant 16 : i32
    %mul3A_0 = arith.muli %arg0, %mul3A : i32
    %add3A = arith.addi %mul3A_0, %arg1 : i32
    "tpu.region"() ({
      %run_scoped3A = tpu.sem_alloc : memref<!tpu.dma_semaphore, #tpu.memory_space<semaphore_mem>>
      %dma_start3A = arith.constant 0 : i32
      %dma_start3A_6 = arith.constant 0 : i32
      %dma_start3A_7 = tpu.memref_slice %arg3[%add3A, %dma_start3A, %dma_start3A_6] : memref<32x40x128xi32, #tpu.memory_space<hbm>> -> memref<1x40x128xi32, #tpu.memory_space<hbm>>
      %dma_start3A_8 = tpu.memref_squeeze %dma_start3A_7 : memref<1x40x128xi32, #tpu.memory_space<hbm>> -> memref<40x128xi32, #tpu.memory_space<hbm>>
      %dma_start3A_9 = arith.constant 0 : i32
      %dma_start3A_10 = arith.constant 0 : i32
      %dma_start3A_11 = tpu.memref_slice %arg3[%add3A, %dma_start3A_9, %dma_start3A_10] : memref<32x40x128xi32, #tpu.memory_space<hbm>> -> memref<1x40x128xi32, #tpu.memory_space<hbm>>
      %dma_start3A_12 = tpu.memref_squeeze %dma_start3A_11 : memref<1x40x128xi32, #tpu.memory_space<hbm>> -> memref<40x128xi32, #tpu.memory_space<hbm>>
      tpu.enqueue_dma source(%dma_start3A_12 : memref<40x128xi32, #tpu.memory_space<hbm>>) target(%arg5 : memref<40x128xi32, #tpu.memory_space<vmem>>) target_semaphore(%run_scoped3A : memref<!tpu.dma_semaphore, #tpu.memory_space<semaphore_mem>>)
      %dma_wait3A = arith.constant 0 : i32
      %dma_wait3A_13 = arith.constant 0 : i32
      %dma_wait3A_14 = tpu.memref_slice %arg3[%add3A, %dma_wait3A, %dma_wait3A_13] : memref<32x40x128xi32, #tpu.memory_space<hbm>> -> memref<1x40x128xi32, #tpu.memory_space<hbm>>
      %dma_wait3A_15 = tpu.memref_squeeze %dma_wait3A_14 : memref<1x40x128xi32, #tpu.memory_space<hbm>> -> memref<40x128xi32, #tpu.memory_space<hbm>>
      %dma_wait3A_16 = arith.constant 0 : i32
      %dma_wait3A_17 = arith.constant 0 : i32
      %dma_wait3A_18 = tpu.memref_slice %arg3[%add3A, %dma_wait3A_16, %dma_wait3A_17] : memref<32x40x128xi32, #tpu.memory_space<hbm>> -> memref<1x40x128xi32, #tpu.memory_space<hbm>>
      %dma_wait3A_19 = tpu.memref_squeeze %dma_wait3A_18 : memref<1x40x128xi32, #tpu.memory_space<hbm>> -> memref<40x128xi32, #tpu.memory_space<hbm>>
      tpu.wait_dma2 semaphore(%run_scoped3A : memref<!tpu.dma_semaphore, #tpu.memory_space<semaphore_mem>>) src(%dma_wait3A_19 : memref<40x128xi32, #tpu.memory_space<hbm>>) dst(%arg5 : memref<40x128xi32, #tpu.memory_space<vmem>>)
      tpu.yield
    }) : () -> ()
    %scan3A = arith.constant 0 : i32
    %scan3A_1 = arith.constant 0 : i32
    %scan3A_2 = arith.constant 20 : i32
    %scan3A_3 = arith.addi %scan3A_1, %scan3A_2 : i32
    %scan3A_4 = arith.constant 1 : i32
    scf.for %scan3A_6 = %scan3A_1 to %scan3A_3 step %scan3A_4  : i32 {
      %mul3A_7 = arith.constant 2 : i32
      %mul3A_8 = arith.muli %scan3A_6, %mul3A_7 : i32
      %add3A_9 = arith.constant 0 : i32
      %add3A_10 = arith.addi %mul3A_8, %add3A_9 : i32
      %dma_start3A = arith.constant 0 : i32
      %dma_start3A_11 = arith.constant 0 : i32
      %dma_start3A_12 = tpu.memref_slice %arg6[%dma_start3A, %dma_start3A_11] : memref<256x128xf32, #tpu.memory_space<vmem>> -> memref<128x128xf32, #tpu.memory_space<vmem>>
      %dma_start3A_13 = arith.constant 0 : i32
      %dma_start3A_14 = tpu.memref_slice %arg5[%add3A_10, %dma_start3A_13] : memref<40x128xi32, #tpu.memory_space<vmem>> -> memref<1x128xi32, #tpu.memory_space<vmem>>
      %dma_start3A_15 = tpu.memref_squeeze %dma_start3A_14 : memref<1x128xi32, #tpu.memory_space<vmem>> -> memref<128xi32, #tpu.memory_space<vmem>>
      %dma_start3A_16 = arith.constant 0 : i32
      %dma_start3A_17 = arith.constant 0 : i32
      %dma_start3A_18 = tpu.memref_slice %arg2[%dma_start3A_16, %dma_start3A_17] : memref<10240x128xf32, #tpu.memory_space<hbm>> -> memref<10240x128xf32, #tpu.memory_space<hbm>>
      tpu.enqueue_indirect_dma source(%dma_start3A_18 : memref<10240x128xf32, #tpu.memory_space<hbm>>) target(%dma_start3A_12 : memref<128x128xf32, #tpu.memory_space<vmem>>) offsets(%dma_start3A_15 : memref<128xi32, #tpu.memory_space<vmem>>) semaphore(%arg7 : memref<!tpu.dma_semaphore, #tpu.memory_space<semaphore_mem>>)
      %mul3A_19 = arith.constant 2 : i32
      %mul3A_20 = arith.muli %scan3A_6, %mul3A_19 : i32
      %add3A_21 = arith.constant 1 : i32
      %add3A_22 = arith.addi %mul3A_20, %add3A_21 : i32
      %dma_start3A_23 = arith.constant 128 : i32
      %dma_start3A_24 = arith.constant 0 : i32
      %dma_start3A_25 = tpu.memref_slice %arg6[%dma_start3A_23, %dma_start3A_24] : memref<256x128xf32, #tpu.memory_space<vmem>> -> memref<128x128xf32, #tpu.memory_space<vmem>>
      %dma_start3A_26 = arith.constant 0 : i32
      %dma_start3A_27 = tpu.memref_slice %arg5[%add3A_22, %dma_start3A_26] : memref<40x128xi32, #tpu.memory_space<vmem>> -> memref<1x128xi32, #tpu.memory_space<vmem>>
      %dma_start3A_28 = tpu.memref_squeeze %dma_start3A_27 : memref<1x128xi32, #tpu.memory_space<vmem>> -> memref<128xi32, #tpu.memory_space<vmem>>
      %dma_start3A_29 = arith.constant 0 : i32
      %dma_start3A_30 = arith.constant 0 : i32
      %dma_start3A_31 = tpu.memref_slice %arg2[%dma_start3A_29, %dma_start3A_30] : memref<10240x128xf32, #tpu.memory_space<hbm>> -> memref<10240x128xf32, #tpu.memory_space<hbm>>
      tpu.enqueue_indirect_dma source(%dma_start3A_31 : memref<10240x128xf32, #tpu.memory_space<hbm>>) target(%dma_start3A_25 : memref<128x128xf32, #tpu.memory_space<vmem>>) offsets(%dma_start3A_28 : memref<128xi32, #tpu.memory_space<vmem>>) semaphore(%arg7 : memref<!tpu.dma_semaphore, #tpu.memory_space<semaphore_mem>>)
      %dma_wait3A = arith.constant 0 : i32
      %dma_wait3A_32 = arith.constant 0 : i32
      %dma_wait3A_33 = tpu.memref_slice %arg6[%dma_wait3A, %dma_wait3A_32] : memref<256x128xf32, #tpu.memory_space<vmem>> -> memref<128x128xf32, #tpu.memory_space<vmem>>
      %dma_wait3A_34 = arith.constant 0 : i32
      %dma_wait3A_35 = tpu.memref_slice %arg5[%add3A_10, %dma_wait3A_34] : memref<40x128xi32, #tpu.memory_space<vmem>> -> memref<1x128xi32, #tpu.memory_space<vmem>>
      %dma_wait3A_36 = tpu.memref_squeeze %dma_wait3A_35 : memref<1x128xi32, #tpu.memory_space<vmem>> -> memref<128xi32, #tpu.memory_space<vmem>>
      %dma_wait3A_37 = arith.constant 0 : i32
      %dma_wait3A_38 = arith.constant 0 : i32
      %dma_wait3A_39 = tpu.memref_slice %arg2[%dma_wait3A_37, %dma_wait3A_38] : memref<10240x128xf32, #tpu.memory_space<hbm>> -> memref<10240x128xf32, #tpu.memory_space<hbm>>
      tpu.wait_indirect_dma semaphore(%arg7 : memref<!tpu.dma_semaphore, #tpu.memory_space<semaphore_mem>>) src(%dma_wait3A_39 : memref<10240x128xf32, #tpu.memory_space<hbm>>) dst(%dma_wait3A_33 : memref<128x128xf32, #tpu.memory_space<vmem>>)
      %dma_wait3A_40 = arith.constant 128 : i32
      %dma_wait3A_41 = arith.constant 0 : i32
      %dma_wait3A_42 = tpu.memref_slice %arg6[%dma_wait3A_40, %dma_wait3A_41] : memref<256x128xf32, #tpu.memory_space<vmem>> -> memref<128x128xf32, #tpu.memory_space<vmem>>
      %dma_wait3A_43 = arith.constant 0 : i32
      %dma_wait3A_44 = tpu.memref_slice %arg5[%add3A_22, %dma_wait3A_43] : memref<40x128xi32, #tpu.memory_space<vmem>> -> memref<1x128xi32, #tpu.memory_space<vmem>>
      %dma_wait3A_45 = tpu.memref_squeeze %dma_wait3A_44 : memref<1x128xi32, #tpu.memory_space<vmem>> -> memref<128xi32, #tpu.memory_space<vmem>>
      %dma_wait3A_46 = arith.constant 0 : i32
      %dma_wait3A_47 = arith.constant 0 : i32
      %dma_wait3A_48 = tpu.memref_slice %arg2[%dma_wait3A_46, %dma_wait3A_47] : memref<10240x128xf32, #tpu.memory_space<hbm>> -> memref<10240x128xf32, #tpu.memory_space<hbm>>
      tpu.wait_indirect_dma semaphore(%arg7 : memref<!tpu.dma_semaphore, #tpu.memory_space<semaphore_mem>>) src(%dma_wait3A_48 : memref<10240x128xf32, #tpu.memory_space<hbm>>) dst(%dma_wait3A_42 : memref<128x128xf32, #tpu.memory_space<vmem>>)
      %mul3A_49 = arith.constant 5120 : i32
      %mul3A_50 = arith.muli %add3A, %mul3A_49 : i32
      %mul3A_51 = arith.constant 256 : i32
      %mul3A_52 = arith.muli %scan3A_6, %mul3A_51 : i32
      %add3A_53 = arith.addi %mul3A_50, %mul3A_52 : i32
      "tpu.region"() ({
        %run_scoped3A = tpu.sem_alloc : memref<!tpu.dma_semaphore, #tpu.memory_space<semaphore_mem>>
        %dma_start3A_54 = arith.constant 0 : i32
        %dma_start3A_55 = tpu.memref_slice %arg4[%add3A_53, %dma_start3A_54] : memref<163840x128xf32, #tpu.memory_space<hbm>> -> memref<256x128xf32, #tpu.memory_space<hbm>>
        %dma_start3A_56 = arith.constant 0 : i32
        %dma_start3A_57 = tpu.memref_slice %arg4[%add3A_53, %dma_start3A_56] : memref<163840x128xf32, #tpu.memory_space<hbm>> -> memref<256x128xf32, #tpu.memory_space<hbm>>
        tpu.enqueue_dma source(%arg6 : memref<256x128xf32, #tpu.memory_space<vmem>>) target(%dma_start3A_57 : memref<256x128xf32, #tpu.memory_space<hbm>>) target_semaphore(%run_scoped3A : memref<!tpu.dma_semaphore, #tpu.memory_space<semaphore_mem>>)
        %dma_wait3A_58 = arith.constant 0 : i32
        %dma_wait3A_59 = tpu.memref_slice %arg4[%add3A_53, %dma_wait3A_58] : memref<163840x128xf32, #tpu.memory_space<hbm>> -> memref<256x128xf32, #tpu.memory_space<hbm>>
        %dma_wait3A_60 = arith.constant 0 : i32
        %dma_wait3A_61 = tpu.memref_slice %arg4[%add3A_53, %dma_wait3A_60] : memref<163840x128xf32, #tpu.memory_space<hbm>> -> memref<256x128xf32, #tpu.memory_space<hbm>>
        tpu.wait_dma2 semaphore(%run_scoped3A : memref<!tpu.dma_semaphore, #tpu.memory_space<semaphore_mem>>) src(%arg6 : memref<256x128xf32, #tpu.memory_space<vmem>>) dst(%dma_wait3A_61 : memref<256x128xf32, #tpu.memory_space<hbm>>)
        tpu.yield
      }) : () -> ()
    }
    %scan3A_5 = arith.constant 20 : i32
    return
  }
}

#map = affine_map<(d0, d1) -> (0, 0)>
#map1 = affine_map<(d0, d1) -> (0, 0, 0)>
module attributes {stable_mosaic.version = 14 : i64} {
  func.func @scatter(%arg0: i32, %arg1: i32, %arg2: memref<163840x32xf32, #tpu.memory_space<hbm>>, %arg3: memref<32x40x128xi32, #tpu.memory_space<hbm>>, %arg4: memref<10240x32xf32, #tpu.memory_space<hbm>>, %arg5: memref<2x10240x32xf32, #tpu.memory_space<hbm>>, %arg6: memref<40x128xi32, #tpu.memory_space<vmem>>, %arg7: memref<256x32xf32, #tpu.memory_space<vmem>>, %arg8: memref<10240x32xf32, #tpu.memory_space<vmem_shared>>, %arg9: memref<!tpu.dma_semaphore, #tpu.memory_space<semaphore_mem>>) attributes {dimension_semantics = [#tpu.dimension_semantics<core_parallel>, #tpu.dimension_semantics<subcore_parallel>], iteration_bounds = array<i64: 2, 16>, scalar_prefetch = 0 : i64, scratch_operands = 4 : i64, tpu.core_type = #tpu.core_type<sc_vector_subcore>, window_params = [{transform_indices = #map}, {transform_indices = #map1}, {transform_indices = #map}, {transform_indices = #map1}]} {
    %mul3A = arith.constant 16 : i32
    %mul3A_0 = arith.muli %arg0, %mul3A : i32
    %add3A = arith.addi %mul3A_0, %arg1 : i32
    "tpu.region"() ({
      %run_scoped3A = tpu.sem_alloc : memref<!tpu.dma_semaphore, #tpu.memory_space<semaphore_mem>>
      %dma_start3A = arith.constant 0 : i32
      %dma_start3A_15 = arith.constant 0 : i32
      %dma_start3A_16 = tpu.memref_slice %arg3[%add3A, %dma_start3A, %dma_start3A_15] : memref<32x40x128xi32, #tpu.memory_space<hbm>> -> memref<1x40x128xi32, #tpu.memory_space<hbm>>
      %dma_start3A_17 = tpu.memref_squeeze %dma_start3A_16 : memref<1x40x128xi32, #tpu.memory_space<hbm>> -> memref<40x128xi32, #tpu.memory_space<hbm>>
      %dma_start3A_18 = arith.constant 0 : i32
      %dma_start3A_19 = arith.constant 0 : i32
      %dma_start3A_20 = tpu.memref_slice %arg3[%add3A, %dma_start3A_18, %dma_start3A_19] : memref<32x40x128xi32, #tpu.memory_space<hbm>> -> memref<1x40x128xi32, #tpu.memory_space<hbm>>
      %dma_start3A_21 = tpu.memref_squeeze %dma_start3A_20 : memref<1x40x128xi32, #tpu.memory_space<hbm>> -> memref<40x128xi32, #tpu.memory_space<hbm>>
      tpu.enqueue_dma source(%dma_start3A_21 : memref<40x128xi32, #tpu.memory_space<hbm>>) target(%arg6 : memref<40x128xi32, #tpu.memory_space<vmem>>) target_semaphore(%run_scoped3A : memref<!tpu.dma_semaphore, #tpu.memory_space<semaphore_mem>>)
      %dma_wait3A = arith.constant 0 : i32
      %dma_wait3A_22 = arith.constant 0 : i32
      %dma_wait3A_23 = tpu.memref_slice %arg3[%add3A, %dma_wait3A, %dma_wait3A_22] : memref<32x40x128xi32, #tpu.memory_space<hbm>> -> memref<1x40x128xi32, #tpu.memory_space<hbm>>
      %dma_wait3A_24 = tpu.memref_squeeze %dma_wait3A_23 : memref<1x40x128xi32, #tpu.memory_space<hbm>> -> memref<40x128xi32, #tpu.memory_space<hbm>>
      %dma_wait3A_25 = arith.constant 0 : i32
      %dma_wait3A_26 = arith.constant 0 : i32
      %dma_wait3A_27 = tpu.memref_slice %arg3[%add3A, %dma_wait3A_25, %dma_wait3A_26] : memref<32x40x128xi32, #tpu.memory_space<hbm>> -> memref<1x40x128xi32, #tpu.memory_space<hbm>>
      %dma_wait3A_28 = tpu.memref_squeeze %dma_wait3A_27 : memref<1x40x128xi32, #tpu.memory_space<hbm>> -> memref<40x128xi32, #tpu.memory_space<hbm>>
      tpu.wait_dma2 semaphore(%run_scoped3A : memref<!tpu.dma_semaphore, #tpu.memory_space<semaphore_mem>>) src(%dma_wait3A_28 : memref<40x128xi32, #tpu.memory_space<hbm>>) dst(%arg6 : memref<40x128xi32, #tpu.memory_space<vmem>>)
      tpu.yield
    }) : () -> ()
    %mul3A_1 = arith.constant 640 : i32
    %mul3A_2 = arith.muli %arg1, %mul3A_1 : i32
    %mul3A_3 = arith.constant 640 : i32
    %mul3A_4 = arith.muli %arg1, %mul3A_3 : i32
    "tpu.region"() ({
      %run_scoped3A = tpu.sem_alloc : memref<!tpu.dma_semaphore, #tpu.memory_space<semaphore_mem>>
      %dma_start3A = arith.constant 0 : i32
      %dma_start3A_15 = tpu.memref_slice %arg8[%mul3A_4, %dma_start3A] : memref<10240x32xf32, #tpu.memory_space<vmem_shared>> -> memref<640x32xf32, #tpu.memory_space<vmem_shared>>
      %dma_start3A_16 = arith.constant 0 : i32
      %dma_start3A_17 = tpu.memref_slice %arg4[%mul3A_2, %dma_start3A_16] : memref<10240x32xf32, #tpu.memory_space<hbm>> -> memref<640x32xf32, #tpu.memory_space<hbm>>
      tpu.enqueue_dma source(%dma_start3A_17 : memref<640x32xf32, #tpu.memory_space<hbm>>) target(%dma_start3A_15 : memref<640x32xf32, #tpu.memory_space<vmem_shared>>) target_semaphore(%run_scoped3A : memref<!tpu.dma_semaphore, #tpu.memory_space<semaphore_mem>>)
      %dma_wait3A = arith.constant 0 : i32
      %dma_wait3A_18 = tpu.memref_slice %arg8[%mul3A_4, %dma_wait3A] : memref<10240x32xf32, #tpu.memory_space<vmem_shared>> -> memref<640x32xf32, #tpu.memory_space<vmem_shared>>
      %dma_wait3A_19 = arith.constant 0 : i32
      %dma_wait3A_20 = tpu.memref_slice %arg4[%mul3A_2, %dma_wait3A_19] : memref<10240x32xf32, #tpu.memory_space<hbm>> -> memref<640x32xf32, #tpu.memory_space<hbm>>
      tpu.wait_dma2 semaphore(%run_scoped3A : memref<!tpu.dma_semaphore, #tpu.memory_space<semaphore_mem>>) src(%dma_wait3A_20 : memref<640x32xf32, #tpu.memory_space<hbm>>) dst(%dma_wait3A_18 : memref<640x32xf32, #tpu.memory_space<vmem_shared>>)
      tpu.yield
    }) : () -> ()
    %barrier3A = arith.constant 0 : index
    tpu.barrier barrier_id(%barrier3A)
    %scan3A = arith.constant 0 : i32
    %scan3A_5 = arith.constant 0 : i32
    %scan3A_6 = arith.constant 20 : i32
    %scan3A_7 = arith.addi %scan3A_5, %scan3A_6 : i32
    %scan3A_8 = arith.constant 1 : i32
    scf.for %scan3A_15 = %scan3A_5 to %scan3A_7 step %scan3A_8  : i32 {
      %mul3A_16 = arith.constant 5120 : i32
      %mul3A_17 = arith.muli %add3A, %mul3A_16 : i32
      %mul3A_18 = arith.constant 256 : i32
      %mul3A_19 = arith.muli %scan3A_15, %mul3A_18 : i32
      %add3A_20 = arith.addi %mul3A_17, %mul3A_19 : i32
      "tpu.region"() ({
        %run_scoped3A = tpu.sem_alloc : memref<!tpu.dma_semaphore, #tpu.memory_space<semaphore_mem>>
        %dma_start3A_63 = arith.constant 0 : i32
        %dma_start3A_64 = tpu.memref_slice %arg2[%add3A_20, %dma_start3A_63] : memref<163840x32xf32, #tpu.memory_space<hbm>> -> memref<256x32xf32, #tpu.memory_space<hbm>>
        %dma_start3A_65 = arith.constant 0 : i32
        %dma_start3A_66 = tpu.memref_slice %arg2[%add3A_20, %dma_start3A_65] : memref<163840x32xf32, #tpu.memory_space<hbm>> -> memref<256x32xf32, #tpu.memory_space<hbm>>
        tpu.enqueue_dma source(%dma_start3A_66 : memref<256x32xf32, #tpu.memory_space<hbm>>) target(%arg7 : memref<256x32xf32, #tpu.memory_space<vmem>>) target_semaphore(%run_scoped3A : memref<!tpu.dma_semaphore, #tpu.memory_space<semaphore_mem>>)
        %dma_wait3A_67 = arith.constant 0 : i32
        %dma_wait3A_68 = tpu.memref_slice %arg2[%add3A_20, %dma_wait3A_67] : memref<163840x32xf32, #tpu.memory_space<hbm>> -> memref<256x32xf32, #tpu.memory_space<hbm>>
        %dma_wait3A_69 = arith.constant 0 : i32
        %dma_wait3A_70 = tpu.memref_slice %arg2[%add3A_20, %dma_wait3A_69] : memref<163840x32xf32, #tpu.memory_space<hbm>> -> memref<256x32xf32, #tpu.memory_space<hbm>>
        tpu.wait_dma2 semaphore(%run_scoped3A : memref<!tpu.dma_semaphore, #tpu.memory_space<semaphore_mem>>) src(%dma_wait3A_70 : memref<256x32xf32, #tpu.memory_space<hbm>>) dst(%arg7 : memref<256x32xf32, #tpu.memory_space<vmem>>)
        tpu.yield
      }) : () -> ()
      %mul3A_21 = arith.constant 2 : i32
      %mul3A_22 = arith.muli %scan3A_15, %mul3A_21 : i32
      %add3A_23 = arith.constant 0 : i32
      %add3A_24 = arith.addi %mul3A_22, %add3A_23 : i32
      %dma_start3A = arith.constant 0 : i32
      %dma_start3A_25 = arith.constant 0 : i32
      %dma_start3A_26 = tpu.memref_slice %arg7[%dma_start3A, %dma_start3A_25] : memref<256x32xf32, #tpu.memory_space<vmem>> -> memref<128x32xf32, #tpu.memory_space<vmem>>
      %dma_start3A_27 = arith.constant 0 : i32
      %dma_start3A_28 = tpu.memref_slice %arg6[%add3A_24, %dma_start3A_27] : memref<40x128xi32, #tpu.memory_space<vmem>> -> memref<1x128xi32, #tpu.memory_space<vmem>>
      %dma_start3A_29 = tpu.memref_squeeze %dma_start3A_28 : memref<1x128xi32, #tpu.memory_space<vmem>> -> memref<128xi32, #tpu.memory_space<vmem>>
      %dma_start3A_30 = arith.constant 0 : i32
      %dma_start3A_31 = arith.constant 0 : i32
      %dma_start3A_32 = tpu.memref_slice %arg8[%dma_start3A_30, %dma_start3A_31] : memref<10240x32xf32, #tpu.memory_space<vmem_shared>> -> memref<10240x32xf32, #tpu.memory_space<vmem_shared>>
      tpu.enqueue_indirect_dma source(%dma_start3A_26 : memref<128x32xf32, #tpu.memory_space<vmem>>) target(%dma_start3A_32 : memref<10240x32xf32, #tpu.memory_space<vmem_shared>>) offsets(%dma_start3A_29 : memref<128xi32, #tpu.memory_space<vmem>>) semaphore(%arg9 : memref<!tpu.dma_semaphore, #tpu.memory_space<semaphore_mem>>) {add = true}
      %mul3A_33 = arith.constant 2 : i32
      %mul3A_34 = arith.muli %scan3A_15, %mul3A_33 : i32
      %add3A_35 = arith.constant 1 : i32
      %add3A_36 = arith.addi %mul3A_34, %add3A_35 : i32
      %dma_start3A_37 = arith.constant 128 : i32
      %dma_start3A_38 = arith.constant 0 : i32
      %dma_start3A_39 = tpu.memref_slice %arg7[%dma_start3A_37, %dma_start3A_38] : memref<256x32xf32, #tpu.memory_space<vmem>> -> memref<128x32xf32, #tpu.memory_space<vmem>>
      %dma_start3A_40 = arith.constant 0 : i32
      %dma_start3A_41 = tpu.memref_slice %arg6[%add3A_36, %dma_start3A_40] : memref<40x128xi32, #tpu.memory_space<vmem>> -> memref<1x128xi32, #tpu.memory_space<vmem>>
      %dma_start3A_42 = tpu.memref_squeeze %dma_start3A_41 : memref<1x128xi32, #tpu.memory_space<vmem>> -> memref<128xi32, #tpu.memory_space<vmem>>
      %dma_start3A_43 = arith.constant 0 : i32
      %dma_start3A_44 = arith.constant 0 : i32
      %dma_start3A_45 = tpu.memref_slice %arg8[%dma_start3A_43, %dma_start3A_44] : memref<10240x32xf32, #tpu.memory_space<vmem_shared>> -> memref<10240x32xf32, #tpu.memory_space<vmem_shared>>
      tpu.enqueue_indirect_dma source(%dma_start3A_39 : memref<128x32xf32, #tpu.memory_space<vmem>>) target(%dma_start3A_45 : memref<10240x32xf32, #tpu.memory_space<vmem_shared>>) offsets(%dma_start3A_42 : memref<128xi32, #tpu.memory_space<vmem>>) semaphore(%arg9 : memref<!tpu.dma_semaphore, #tpu.memory_space<semaphore_mem>>) {add = true}
      %dma_wait3A = arith.constant 0 : i32
      %dma_wait3A_46 = arith.constant 0 : i32
      %dma_wait3A_47 = tpu.memref_slice %arg7[%dma_wait3A, %dma_wait3A_46] : memref<256x32xf32, #tpu.memory_space<vmem>> -> memref<128x32xf32, #tpu.memory_space<vmem>>
      %dma_wait3A_48 = arith.constant 0 : i32
      %dma_wait3A_49 = tpu.memref_slice %arg6[%add3A_24, %dma_wait3A_48] : memref<40x128xi32, #tpu.memory_space<vmem>> -> memref<1x128xi32, #tpu.memory_space<vmem>>
      %dma_wait3A_50 = tpu.memref_squeeze %dma_wait3A_49 : memref<1x128xi32, #tpu.memory_space<vmem>> -> memref<128xi32, #tpu.memory_space<vmem>>
      %dma_wait3A_51 = arith.constant 0 : i32
      %dma_wait3A_52 = arith.constant 0 : i32
      %dma_wait3A_53 = tpu.memref_slice %arg8[%dma_wait3A_51, %dma_wait3A_52] : memref<10240x32xf32, #tpu.memory_space<vmem_shared>> -> memref<10240x32xf32, #tpu.memory_space<vmem_shared>>
      tpu.wait_indirect_dma semaphore(%arg9 : memref<!tpu.dma_semaphore, #tpu.memory_space<semaphore_mem>>) src(%dma_wait3A_47 : memref<128x32xf32, #tpu.memory_space<vmem>>) dst(%dma_wait3A_53 : memref<10240x32xf32, #tpu.memory_space<vmem_shared>>)
      %dma_wait3A_54 = arith.constant 128 : i32
      %dma_wait3A_55 = arith.constant 0 : i32
      %dma_wait3A_56 = tpu.memref_slice %arg7[%dma_wait3A_54, %dma_wait3A_55] : memref<256x32xf32, #tpu.memory_space<vmem>> -> memref<128x32xf32, #tpu.memory_space<vmem>>
      %dma_wait3A_57 = arith.constant 0 : i32
      %dma_wait3A_58 = tpu.memref_slice %arg6[%add3A_36, %dma_wait3A_57] : memref<40x128xi32, #tpu.memory_space<vmem>> -> memref<1x128xi32, #tpu.memory_space<vmem>>
      %dma_wait3A_59 = tpu.memref_squeeze %dma_wait3A_58 : memref<1x128xi32, #tpu.memory_space<vmem>> -> memref<128xi32, #tpu.memory_space<vmem>>
      %dma_wait3A_60 = arith.constant 0 : i32
      %dma_wait3A_61 = arith.constant 0 : i32
      %dma_wait3A_62 = tpu.memref_slice %arg8[%dma_wait3A_60, %dma_wait3A_61] : memref<10240x32xf32, #tpu.memory_space<vmem_shared>> -> memref<10240x32xf32, #tpu.memory_space<vmem_shared>>
      tpu.wait_indirect_dma semaphore(%arg9 : memref<!tpu.dma_semaphore, #tpu.memory_space<semaphore_mem>>) src(%dma_wait3A_56 : memref<128x32xf32, #tpu.memory_space<vmem>>) dst(%dma_wait3A_62 : memref<10240x32xf32, #tpu.memory_space<vmem_shared>>)
    }
    %scan3A_9 = arith.constant 20 : i32
    %barrier3A_10 = arith.constant 0 : index
    tpu.barrier barrier_id(%barrier3A_10)
    %mul3A_11 = arith.constant 640 : i32
    %mul3A_12 = arith.muli %arg1, %mul3A_11 : i32
    %mul3A_13 = arith.constant 640 : i32
    %mul3A_14 = arith.muli %arg1, %mul3A_13 : i32
    "tpu.region"() ({
      %run_scoped3A = tpu.sem_alloc : memref<!tpu.dma_semaphore, #tpu.memory_space<semaphore_mem>>
      %dma_start3A = arith.constant 0 : i32
      %dma_start3A_15 = tpu.memref_slice %arg5[%arg0, %mul3A_14, %dma_start3A] : memref<2x10240x32xf32, #tpu.memory_space<hbm>> -> memref<1x640x32xf32, #tpu.memory_space<hbm>>
      %dma_start3A_16 = tpu.memref_squeeze %dma_start3A_15 : memref<1x640x32xf32, #tpu.memory_space<hbm>> -> memref<640x32xf32, #tpu.memory_space<hbm>>
      %dma_start3A_17 = arith.constant 0 : i32
      %dma_start3A_18 = tpu.memref_slice %arg8[%mul3A_12, %dma_start3A_17] : memref<10240x32xf32, #tpu.memory_space<vmem_shared>> -> memref<640x32xf32, #tpu.memory_space<vmem_shared>>
      tpu.enqueue_dma source(%dma_start3A_18 : memref<640x32xf32, #tpu.memory_space<vmem_shared>>) target(%dma_start3A_16 : memref<640x32xf32, #tpu.memory_space<hbm>>) target_semaphore(%run_scoped3A : memref<!tpu.dma_semaphore, #tpu.memory_space<semaphore_mem>>)
      %dma_wait3A = arith.constant 0 : i32
      %dma_wait3A_19 = tpu.memref_slice %arg5[%arg0, %mul3A_14, %dma_wait3A] : memref<2x10240x32xf32, #tpu.memory_space<hbm>> -> memref<1x640x32xf32, #tpu.memory_space<hbm>>
      %dma_wait3A_20 = tpu.memref_squeeze %dma_wait3A_19 : memref<1x640x32xf32, #tpu.memory_space<hbm>> -> memref<640x32xf32, #tpu.memory_space<hbm>>
      %dma_wait3A_21 = arith.constant 0 : i32
      %dma_wait3A_22 = tpu.memref_slice %arg8[%mul3A_12, %dma_wait3A_21] : memref<10240x32xf32, #tpu.memory_space<vmem_shared>> -> memref<640x32xf32, #tpu.memory_space<vmem_shared>>
      tpu.wait_dma2 semaphore(%run_scoped3A : memref<!tpu.dma_semaphore, #tpu.memory_space<semaphore_mem>>) src(%dma_wait3A_22 : memref<640x32xf32, #tpu.memory_space<vmem_shared>>) dst(%dma_wait3A_20 : memref<640x32xf32, #tpu.memory_space<hbm>>)
      tpu.yield
    }) : () -> ()
    return
  }
}

module attributes {stable_mosaic.version = 14 : i64} {
  func.func @_h0_body(%arg0: i32, %arg1: memref<1024x16xf32, #tpu.memory_space<vmem>>, %arg2: memref<1024x8xf32, #tpu.memory_space<vmem>>, %arg3: memref<8x16xf32, #tpu.memory_space<vmem>>, %arg4: memref<1x16xf32, #tpu.memory_space<vmem>>, %arg5: memref<16x16xf32, #tpu.memory_space<vmem>>, %arg6: memref<1x16xf32, #tpu.memory_space<vmem>>, %arg7: memref<1024x128xf32, #tpu.memory_space<vmem>>) attributes {dimension_semantics = [#tpu.dimension_semantics<arbitrary>], iteration_bounds = array<i64: 10>, scalar_prefetch = 0 : i64, scratch_operands = 0 : i64, tpu.core_type = #tpu.core_type<tc>, window_params = [{transform_indices = @transform_0, window_bounds = array<i64: 1024, 16>}, {transform_indices = @transform_1, window_bounds = array<i64: 1024, 8>}, {pipeline_mode = #tpu.pipeline_mode<synchronous>, transform_indices = @transform_2, window_bounds = array<i64: 8, 16>}, {pipeline_mode = #tpu.pipeline_mode<synchronous>, transform_indices = @transform_3, window_bounds = array<i64: 1, 16>}, {pipeline_mode = #tpu.pipeline_mode<synchronous>, transform_indices = @transform_4, window_bounds = array<i64: 16, 16>}, {pipeline_mode = #tpu.pipeline_mode<synchronous>, transform_indices = @transform_5, window_bounds = array<i64: 1, 16>}, {transform_indices = @transform_6, window_bounds = array<i64: 1024, 128>}]} {
    %get3A = arith.constant 0 : index
    %get3A_0 = arith.constant 0 : index
    %get3A_1 = vector.load %arg2[%get3A, %get3A_0] : memref<1024x8xf32, #tpu.memory_space<vmem>>, vector<1024x8xf32>
    %get3A_2 = arith.constant 0 : index
    %get3A_3 = arith.constant 0 : index
    %get3A_4 = vector.load %arg3[%get3A_2, %get3A_3] : memref<8x16xf32, #tpu.memory_space<vmem>>, vector<8x16xf32>
    %dot_general3A = arith.constant dense<0.000000e+00> : vector<1024x16xf32>
    %dot_general3A_5 = tpu.matmul %get3A_1, %get3A_4, %dot_general3A {dimension_numbers = #tpu.dot_dimension_numbers<[1], [0], [0], [1], [0, 0, 1, 1], [], []>, transpose_lhs_hint = false} : vector<1024x8xf32>, vector<8x16xf32>, vector<1024x16xf32> -> vector<1024x16xf32>
    %get3A_6 = arith.constant 0 : index
    %get3A_7 = arith.constant 0 : index
    %get3A_8 = vector.load %arg4[%get3A_6, %get3A_7] : memref<1x16xf32, #tpu.memory_space<vmem>>, vector<1x16xf32>
    %add3A = vector.broadcast %get3A_8 : vector<1x16xf32> to vector<1024x16xf32>
    %add3A_9 = arith.addf %dot_general3A_5, %add3A : vector<1024x16xf32>
    %max3A = arith.constant 0.000000e+00 : f32
    %max3A_10 = vector.broadcast %max3A : f32 to vector<1024x16xf32>
    %max3A_11 = arith.maximumf %add3A_9, %max3A_10 : vector<1024x16xf32>
    %get3A_12 = arith.constant 0 : index
    %get3A_13 = arith.constant 0 : index
    %get3A_14 = vector.load %arg5[%get3A_12, %get3A_13] : memref<16x16xf32, #tpu.memory_space<vmem>>, vector<16x16xf32>
    %dot_general3A_15 = arith.constant dense<0.000000e+00> : vector<1024x16xf32>
    %dot_general3A_16 = tpu.matmul %max3A_11, %get3A_14, %dot_general3A_15 {dimension_numbers = #tpu.dot_dimension_numbers<[1], [0], [0], [1], [0, 0, 1, 1], [], []>, transpose_lhs_hint = false} : vector<1024x16xf32>, vector<16x16xf32>, vector<1024x16xf32> -> vector<1024x16xf32>
    %get3A_17 = arith.constant 0 : index
    %get3A_18 = arith.constant 0 : index
    %get3A_19 = vector.load %arg6[%get3A_17, %get3A_18] : memref<1x16xf32, #tpu.memory_space<vmem>>, vector<1x16xf32>
    %add3A_20 = vector.broadcast %get3A_19 : vector<1x16xf32> to vector<1024x16xf32>
    %add3A_21 = arith.addf %dot_general3A_16, %add3A_20 : vector<1024x16xf32>
    %max3A_22 = arith.constant 0.000000e+00 : f32
    %max3A_23 = vector.broadcast %max3A_22 : f32 to vector<1024x16xf32>
    %max3A_24 = arith.maximumf %add3A_21, %max3A_23 : vector<1024x16xf32>
    %broadcast_in_dim3A = arith.constant 0.000000e+00 : f32
    %broadcast_in_dim3A_25 = vector.broadcast %broadcast_in_dim3A : f32 to vector<1024x96xf32>
    %get3A_26 = arith.constant 0 : index
    %get3A_27 = arith.constant 0 : index
    %get3A_28 = vector.load %arg1[%get3A_26, %get3A_27] : memref<1024x16xf32, #tpu.memory_space<vmem>>, vector<1024x16xf32>
    %concatenate3A = tpu.concatenate %get3A_28, %max3A_24, %broadcast_in_dim3A_25 in 1 : vector<1024x16xf32>, vector<1024x16xf32>, vector<1024x96xf32> -> vector<1024x128xf32>
    %swap3A = arith.constant 0 : index
    %swap3A_29 = arith.constant 0 : index
    %swap3A_30 = vector.load %arg7[%swap3A, %swap3A_29] : memref<1024x128xf32, #tpu.memory_space<vmem>>, vector<1024x128xf32>
    tpu.vector_store %arg7[%swap3A, %swap3A_29], %concatenate3A {strides = array<i32>} : memref<1024x128xf32, #tpu.memory_space<vmem>>, vector<1024x128xf32>,
    return
  }
  func.func @transform_0(%arg0: i32) -> (i32, i32) {
    %c0_i32 = arith.constant 0 : i32
    %c0_i32_0 = arith.constant 0 : i32
    return %arg0, %c0_i32 : i32, i32
  }
  func.func @transform_1(%arg0: i32) -> (i32, i32) {
    %c0_i32 = arith.constant 0 : i32
    %c0_i32_0 = arith.constant 0 : i32
    return %arg0, %c0_i32 : i32, i32
  }
  func.func @transform_2(%arg0: i32) -> (i32, i32) {
    %c0_i32 = arith.constant 0 : i32
    %c0_i32_0 = arith.constant 0 : i32
    %c0_i32_1 = arith.constant 0 : i32
    return %c0_i32, %c0_i32_0 : i32, i32
  }
  func.func @transform_3(%arg0: i32) -> (i32, i32) {
    %c0_i32 = arith.constant 0 : i32
    %c0_i32_0 = arith.constant 0 : i32
    %c0_i32_1 = arith.constant 0 : i32
    return %c0_i32, %c0_i32_0 : i32, i32
  }
  func.func @transform_4(%arg0: i32) -> (i32, i32) {
    %c0_i32 = arith.constant 0 : i32
    %c0_i32_0 = arith.constant 0 : i32
    %c0_i32_1 = arith.constant 0 : i32
    return %c0_i32, %c0_i32_0 : i32, i32
  }
  func.func @transform_5(%arg0: i32) -> (i32, i32) {
    %c0_i32 = arith.constant 0 : i32
    %c0_i32_0 = arith.constant 0 : i32
    %c0_i32_1 = arith.constant 0 : i32
    return %c0_i32, %c0_i32_0 : i32, i32
  }
  func.func @transform_6(%arg0: i32) -> (i32, i32) {
    %c0_i32 = arith.constant 0 : i32
    %c0_i32_0 = arith.constant 0 : i32
    return %arg0, %c0_i32 : i32, i32
  }
}

module attributes {stable_mosaic.version = 14 : i64} {
  func.func @_z_body(%arg0: i32, %arg1: memref<2048x4xf32, #tpu.memory_space<vmem>>, %arg2: memref<4x32xf32, #tpu.memory_space<vmem>>, %arg3: memref<1x32xf32, #tpu.memory_space<vmem>>, %arg4: memref<2048x32xbf16, #tpu.memory_space<vmem>>) attributes {dimension_semantics = [#tpu.dimension_semantics<arbitrary>], iteration_bounds = array<i64: 80>, scalar_prefetch = 0 : i64, scratch_operands = 0 : i64, tpu.core_type = #tpu.core_type<tc>, window_params = [{transform_indices = @transform_0, window_bounds = array<i64: 2048, 4>}, {pipeline_mode = #tpu.pipeline_mode<synchronous>, transform_indices = @transform_1, window_bounds = array<i64: 4, 32>}, {pipeline_mode = #tpu.pipeline_mode<synchronous>, transform_indices = @transform_2, window_bounds = array<i64: 1, 32>}, {transform_indices = @transform_3, window_bounds = array<i64: 2048, 32>}]} {
    %get3A = arith.constant 0 : index
    %get3A_0 = arith.constant 0 : index
    %get3A_1 = vector.load %arg1[%get3A, %get3A_0] : memref<2048x4xf32, #tpu.memory_space<vmem>>, vector<2048x4xf32>
    %get3A_2 = arith.constant 0 : index
    %get3A_3 = arith.constant 0 : index
    %get3A_4 = vector.load %arg2[%get3A_2, %get3A_3] : memref<4x32xf32, #tpu.memory_space<vmem>>, vector<4x32xf32>
    %dot_general3A = arith.constant dense<0.000000e+00> : vector<2048x32xf32>
    %dot_general3A_5 = tpu.matmul %get3A_1, %get3A_4, %dot_general3A {dimension_numbers = #tpu.dot_dimension_numbers<[1], [0], [0], [1], [0, 0, 1, 1], [], []>, transpose_lhs_hint = false} : vector<2048x4xf32>, vector<4x32xf32>, vector<2048x32xf32> -> vector<2048x32xf32>
    %get3A_6 = arith.constant 0 : index
    %get3A_7 = arith.constant 0 : index
    %get3A_8 = vector.load %arg3[%get3A_6, %get3A_7] : memref<1x32xf32, #tpu.memory_space<vmem>>, vector<1x32xf32>
    %add3A = vector.broadcast %get3A_8 : vector<1x32xf32> to vector<2048x32xf32>
    %add3A_9 = arith.addf %dot_general3A_5, %add3A : vector<2048x32xf32>
    %max3A = arith.constant 0.000000e+00 : f32
    %max3A_10 = vector.broadcast %max3A : f32 to vector<2048x32xf32>
    %max3A_11 = arith.maximumf %add3A_9, %max3A_10 : vector<2048x32xf32>
    %convert_element_type3A = arith.truncf %max3A_11 : vector<2048x32xf32> to vector<2048x32xbf16>
    %swap3A = arith.constant 0 : index
    %swap3A_12 = arith.constant 0 : index
    %swap3A_13 = vector.load %arg4[%swap3A, %swap3A_12] : memref<2048x32xbf16, #tpu.memory_space<vmem>>, vector<2048x32xbf16>
    tpu.vector_store %arg4[%swap3A, %swap3A_12], %convert_element_type3A {strides = array<i32>} : memref<2048x32xbf16, #tpu.memory_space<vmem>>, vector<2048x32xbf16>,
    return
  }
  func.func @transform_0(%arg0: i32) -> (i32, i32) {
    %c0_i32 = arith.constant 0 : i32
    %c0_i32_0 = arith.constant 0 : i32
    return %arg0, %c0_i32 : i32, i32
  }
  func.func @transform_1(%arg0: i32) -> (i32, i32) {
    %c0_i32 = arith.constant 0 : i32
    %c0_i32_0 = arith.constant 0 : i32
    %c0_i32_1 = arith.constant 0 : i32
    return %c0_i32, %c0_i32_0 : i32, i32
  }
  func.func @transform_2(%arg0: i32) -> (i32, i32) {
    %c0_i32 = arith.constant 0 : i32
    %c0_i32_0 = arith.constant 0 : i32
    %c0_i32_1 = arith.constant 0 : i32
    return %c0_i32, %c0_i32_0 : i32, i32
  }
  func.func @transform_3(%arg0: i32) -> (i32, i32) {
    %c0_i32 = arith.constant 0 : i32
    %c0_i32_0 = arith.constant 0 : i32
    return %arg0, %c0_i32 : i32, i32
  }
}

module attributes {stable_mosaic.version = 14 : i64} {
  func.func @_msg_body(%arg0: i32, %arg1: memref<1024x32xbf16, #tpu.memory_space<vmem>>, %arg2: memref<1024x128xf32, #tpu.memory_space<vmem>>, %arg3: memref<32x1024xbf16, #tpu.memory_space<vmem>>, %arg4: memref<1024x32xbf16, #tpu.memory_space<vmem>>, %arg5: memref<32x32xf32, #tpu.memory_space<vmem>>, %arg6: memref<1024x32xf32, #tpu.memory_space<vmem>>) attributes {dimension_semantics = [#tpu.dimension_semantics<arbitrary>], iteration_bounds = array<i64: 160>, scalar_prefetch = 0 : i64, scratch_operands = 0 : i64, tpu.core_type = #tpu.core_type<tc>, window_params = [{transform_indices = @transform_0, window_bounds = array<i64: 1024, 32>}, {transform_indices = @transform_1, window_bounds = array<i64: 1024, 128>}, {pipeline_mode = #tpu.pipeline_mode<synchronous>, transform_indices = @transform_2, window_bounds = array<i64: 32, 1024>}, {pipeline_mode = #tpu.pipeline_mode<synchronous>, transform_indices = @transform_3, window_bounds = array<i64: 1024, 32>}, {pipeline_mode = #tpu.pipeline_mode<synchronous>, transform_indices = @transform_4, window_bounds = array<i64: 32, 32>}, {transform_indices = @transform_5, window_bounds = array<i64: 1024, 32>}]} {
    %get3A = arith.constant 0 : index
    %get3A_0 = arith.constant 0 : index
    %get3A_1 = vector.load %arg1[%get3A, %get3A_0] : memref<1024x32xbf16, #tpu.memory_space<vmem>>, vector<1024x32xbf16>
    %get3A_2 = arith.constant 0 : index
    %get3A_3 = arith.constant 0 : index
    %get3A_4 = vector.load %arg2[%get3A_2, %get3A_3] : memref<1024x128xf32, #tpu.memory_space<vmem>>, vector<1024x32xf32>
    %convert_element_type3A = arith.truncf %get3A_4 : vector<1024x32xf32> to vector<1024x32xbf16>
    %get3A_5 = arith.constant 0 : index
    %get3A_6 = arith.constant 0 : index
    %get3A_7 = vector.load %arg3[%get3A_5, %get3A_6] : memref<32x1024xbf16, #tpu.memory_space<vmem>>, vector<32x1024xbf16>
    %dot_general3A = arith.constant dense<0.000000e+00> : vector<1024x1024xf32>
    %dot_general3A_8 = tpu.matmul %convert_element_type3A, %get3A_7, %dot_general3A {dimension_numbers = #tpu.dot_dimension_numbers<[1], [0], [0], [1], [0, 0, 1, 1], [], []>, transpose_lhs_hint = false} : vector<1024x32xbf16>, vector<32x1024xbf16>, vector<1024x1024xf32> -> vector<1024x1024xf32>
    %convert_element_type3A_9 = arith.truncf %dot_general3A_8 : vector<1024x1024xf32> to vector<1024x1024xbf16>
    %concatenate3A = tpu.concatenate %get3A_1, %get3A_1, %get3A_1, %get3A_1 in 1 : vector<1024x32xbf16>, vector<1024x32xbf16>, vector<1024x32xbf16>, vector<1024x32xbf16> -> vector<1024x128xbf16>
    %concatenate3A_10 = tpu.concatenate %concatenate3A, %concatenate3A, %concatenate3A, %concatenate3A, %concatenate3A, %concatenate3A, %concatenate3A, %concatenate3A in 1 : vector<1024x128xbf16>, vector<1024x128xbf16>, vector<1024x128xbf16>, vector<1024x128xbf16>, vector<1024x128xbf16>, vector<1024x128xbf16>, vector<1024x128xbf16>, vector<1024x128xbf16> -> vector<1024x1024xbf16>
    %mul3A = arith.mulf %concatenate3A_10, %convert_element_type3A_9 : vector<1024x1024xbf16>
    %get3A_11 = arith.constant 0 : index
    %get3A_12 = arith.constant 0 : index
    %get3A_13 = vector.load %arg4[%get3A_11, %get3A_12] : memref<1024x32xbf16, #tpu.memory_space<vmem>>, vector<1024x32xbf16>
    %dot_general3A_14 = arith.constant dense<0.000000e+00> : vector<1024x32xf32>
    %dot_general3A_15 = tpu.matmul %mul3A, %get3A_13, %dot_general3A_14 {dimension_numbers = #tpu.dot_dimension_numbers<[1], [0], [0], [1], [0, 0, 1, 1], [], []>, transpose_lhs_hint = false} : vector<1024x1024xbf16>, vector<1024x32xbf16>, vector<1024x32xf32> -> vector<1024x32xf32>
    %get3A_16 = arith.constant 0 : index
    %get3A_17 = arith.constant 0 : index
    %get3A_18 = vector.load %arg5[%get3A_16, %get3A_17] : memref<32x32xf32, #tpu.memory_space<vmem>>, vector<32x32xf32>
    %dot_general3A_19 = arith.constant dense<0.000000e+00> : vector<1024x32xf32>
    %dot_general3A_20 = tpu.matmul %convert_element_type3A, %get3A_18, %dot_general3A_19 {dimension_numbers = #tpu.dot_dimension_numbers<[1], [0], [0], [1], [0, 0, 1, 1], [], []>, transpose_lhs_hint = false} : vector<1024x32xbf16>, vector<32x32xf32>, vector<1024x32xf32> -> vector<1024x32xf32>
    %add3A = arith.addf %dot_general3A_15, %dot_general3A_20 : vector<1024x32xf32>
    %swap3A = arith.constant 0 : index
    %swap3A_21 = arith.constant 0 : index
    %swap3A_22 = vector.load %arg6[%swap3A, %swap3A_21] : memref<1024x32xf32, #tpu.memory_space<vmem>>, vector<1024x32xf32>
    tpu.vector_store %arg6[%swap3A, %swap3A_21], %add3A {strides = array<i32>} : memref<1024x32xf32, #tpu.memory_space<vmem>>, vector<1024x32xf32>,
    return
  }
  func.func @transform_0(%arg0: i32) -> (i32, i32) {
    %c0_i32 = arith.constant 0 : i32
    %c0_i32_0 = arith.constant 0 : i32
    return %arg0, %c0_i32 : i32, i32
  }
  func.func @transform_1(%arg0: i32) -> (i32, i32) {
    %c0_i32 = arith.constant 0 : i32
    %c0_i32_0 = arith.constant 0 : i32
    return %arg0, %c0_i32 : i32, i32
  }
  func.func @transform_2(%arg0: i32) -> (i32, i32) {
    %c0_i32 = arith.constant 0 : i32
    %c0_i32_0 = arith.constant 0 : i32
    %c0_i32_1 = arith.constant 0 : i32
    return %c0_i32, %c0_i32_0 : i32, i32
  }
  func.func @transform_3(%arg0: i32) -> (i32, i32) {
    %c0_i32 = arith.constant 0 : i32
    %c0_i32_0 = arith.constant 0 : i32
    %c0_i32_1 = arith.constant 0 : i32
    return %c0_i32, %c0_i32_0 : i32, i32
  }
  func.func @transform_4(%arg0: i32) -> (i32, i32) {
    %c0_i32 = arith.constant 0 : i32
    %c0_i32_0 = arith.constant 0 : i32
    %c0_i32_1 = arith.constant 0 : i32
    return %c0_i32, %c0_i32_0 : i32, i32
  }
  func.func @transform_5(%arg0: i32) -> (i32, i32) {
    %c0_i32 = arith.constant 0 : i32
    %c0_i32_0 = arith.constant 0 : i32
    return %arg0, %c0_i32 : i32, i32
  }
}

module attributes {stable_mosaic.version = 14 : i64} {
  func.func @_combine_body(%arg0: i32, %arg1: memref<512x32xf32, #tpu.memory_space<vmem>>, %arg2: memref<512x32xf32, #tpu.memory_space<vmem>>, %arg3: memref<512x32xf32, #tpu.memory_space<vmem>>, %arg4: memref<512x32xf32, #tpu.memory_space<vmem>>, %arg5: memref<512x128xf32, #tpu.memory_space<vmem>>, %arg6: memref<32x32xf32, #tpu.memory_space<vmem>>, %arg7: memref<1x32xf32, #tpu.memory_space<vmem>>, %arg8: memref<512x128xf32, #tpu.memory_space<vmem>>) attributes {dimension_semantics = [#tpu.dimension_semantics<arbitrary>], iteration_bounds = array<i64: 20>, scalar_prefetch = 0 : i64, scratch_operands = 0 : i64, tpu.core_type = #tpu.core_type<tc>, window_params = [{transform_indices = @transform_0, window_bounds = array<i64: 512, 32>}, {transform_indices = @transform_1, window_bounds = array<i64: 512, 32>}, {transform_indices = @transform_2, window_bounds = array<i64: 512, 32>}, {transform_indices = @transform_3, window_bounds = array<i64: 512, 32>}, {transform_indices = @transform_4, window_bounds = array<i64: 512, 128>}, {pipeline_mode = #tpu.pipeline_mode<synchronous>, transform_indices = @transform_5, window_bounds = array<i64: 32, 32>}, {pipeline_mode = #tpu.pipeline_mode<synchronous>, transform_indices = @transform_6, window_bounds = array<i64: 1, 32>}, {transform_indices = @transform_7, window_bounds = array<i64: 512, 128>}]} {
    %get3A = arith.constant 0 : index
    %get3A_0 = arith.constant 0 : index
    %get3A_1 = vector.load %arg3[%get3A, %get3A_0] : memref<512x32xf32, #tpu.memory_space<vmem>>, vector<512x32xf32>
    %get3A_2 = arith.constant 0 : index
    %get3A_3 = arith.constant 0 : index
    %get3A_4 = vector.load %arg4[%get3A_2, %get3A_3] : memref<512x32xf32, #tpu.memory_space<vmem>>, vector<512x32xf32>
    %add3A = arith.addf %get3A_1, %get3A_4 : vector<512x32xf32>
    %max3A = arith.constant 1.000000e+00 : f32
    %max3A_5 = vector.broadcast %max3A : f32 to vector<512x32xf32>
    %max3A_6 = arith.maximumf %add3A, %max3A_5 : vector<512x32xf32>
    %get3A_7 = arith.constant 0 : index
    %get3A_8 = arith.constant 0 : index
    %get3A_9 = vector.load %arg1[%get3A_7, %get3A_8] : memref<512x32xf32, #tpu.memory_space<vmem>>, vector<512x32xf32>
    %get3A_10 = arith.constant 0 : index
    %get3A_11 = arith.constant 0 : index
    %get3A_12 = vector.load %arg2[%get3A_10, %get3A_11] : memref<512x32xf32, #tpu.memory_space<vmem>>, vector<512x32xf32>
    %add3A_13 = arith.addf %get3A_9, %get3A_12 : vector<512x32xf32>
    %div3A = arith.divf %add3A_13, %max3A_6 : vector<512x32xf32>
    %get3A_14 = arith.constant 0 : index
    %get3A_15 = arith.constant 0 : index
    %get3A_16 = vector.load %arg5[%get3A_14, %get3A_15] : memref<512x128xf32, #tpu.memory_space<vmem>>, vector<512x32xf32>
    %get3A_17 = arith.constant 0 : index
    %get3A_18 = arith.constant 0 : index
    %get3A_19 = vector.load %arg6[%get3A_17, %get3A_18] : memref<32x32xf32, #tpu.memory_space<vmem>>, vector<32x32xf32>
    %dot_general3A = arith.constant dense<0.000000e+00> : vector<512x32xf32>
    %dot_general3A_20 = tpu.matmul %get3A_16, %get3A_19, %dot_general3A {dimension_numbers = #tpu.dot_dimension_numbers<[1], [0], [0], [1], [0, 0, 1, 1], [], []>, transpose_lhs_hint = false} : vector<512x32xf32>, vector<32x32xf32>, vector<512x32xf32> -> vector<512x32xf32>
    %add3A_21 = arith.addf %div3A, %dot_general3A_20 : vector<512x32xf32>
    %get3A_22 = arith.constant 0 : index
    %get3A_23 = arith.constant 0 : index
    %get3A_24 = vector.load %arg7[%get3A_22, %get3A_23] : memref<1x32xf32, #tpu.memory_space<vmem>>, vector<1x32xf32>
    %add3A_25 = vector.broadcast %get3A_24 : vector<1x32xf32> to vector<512x32xf32>
    %add3A_26 = arith.addf %add3A_21, %add3A_25 : vector<512x32xf32>
    %max3A_27 = arith.constant 0.000000e+00 : f32
    %max3A_28 = vector.broadcast %max3A_27 : f32 to vector<512x32xf32>
    %max3A_29 = arith.maximumf %add3A_26, %max3A_28 : vector<512x32xf32>
    %broadcast_in_dim3A = arith.constant 0.000000e+00 : f32
    %broadcast_in_dim3A_30 = vector.broadcast %broadcast_in_dim3A : f32 to vector<512x96xf32>
    %concatenate3A = tpu.concatenate %max3A_29, %broadcast_in_dim3A_30 in 1 : vector<512x32xf32>, vector<512x96xf32> -> vector<512x128xf32>
    %swap3A = arith.constant 0 : index
    %swap3A_31 = arith.constant 0 : index
    %swap3A_32 = vector.load %arg8[%swap3A, %swap3A_31] : memref<512x128xf32, #tpu.memory_space<vmem>>, vector<512x128xf32>
    tpu.vector_store %arg8[%swap3A, %swap3A_31], %concatenate3A {strides = array<i32>} : memref<512x128xf32, #tpu.memory_space<vmem>>, vector<512x128xf32>,
    return
  }
  func.func @transform_0(%arg0: i32) -> (i32, i32) {
    %c0_i32 = arith.constant 0 : i32
    %c0_i32_0 = arith.constant 0 : i32
    return %arg0, %c0_i32 : i32, i32
  }
  func.func @transform_1(%arg0: i32) -> (i32, i32) {
    %c0_i32 = arith.constant 0 : i32
    %c0_i32_0 = arith.constant 0 : i32
    return %arg0, %c0_i32 : i32, i32
  }
  func.func @transform_2(%arg0: i32) -> (i32, i32) {
    %c0_i32 = arith.constant 0 : i32
    %c0_i32_0 = arith.constant 0 : i32
    return %arg0, %c0_i32 : i32, i32
  }
  func.func @transform_3(%arg0: i32) -> (i32, i32) {
    %c0_i32 = arith.constant 0 : i32
    %c0_i32_0 = arith.constant 0 : i32
    return %arg0, %c0_i32 : i32, i32
  }
  func.func @transform_4(%arg0: i32) -> (i32, i32) {
    %c0_i32 = arith.constant 0 : i32
    %c0_i32_0 = arith.constant 0 : i32
    return %arg0, %c0_i32 : i32, i32
  }
  func.func @transform_5(%arg0: i32) -> (i32, i32) {
    %c0_i32 = arith.constant 0 : i32
    %c0_i32_0 = arith.constant 0 : i32
    %c0_i32_1 = arith.constant 0 : i32
    return %c0_i32, %c0_i32_0 : i32, i32
  }
  func.func @transform_6(%arg0: i32) -> (i32, i32) {
    %c0_i32 = arith.constant 0 : i32
    %c0_i32_0 = arith.constant 0 : i32
    %c0_i32_1 = arith.constant 0 : i32
    return %c0_i32, %c0_i32_0 : i32, i32
  }
  func.func @transform_7(%arg0: i32) -> (i32, i32) {
    %c0_i32 = arith.constant 0 : i32
    %c0_i32_0 = arith.constant 0 : i32
    return %arg0, %c0_i32 : i32, i32
  }
}

module attributes {stable_mosaic.version = 14 : i64} {
  func.func @_combine_head_body(%arg0: i32, %arg1: memref<512x32xf32, #tpu.memory_space<vmem>>, %arg2: memref<512x32xf32, #tpu.memory_space<vmem>>, %arg3: memref<512x32xf32, #tpu.memory_space<vmem>>, %arg4: memref<512x32xf32, #tpu.memory_space<vmem>>, %arg5: memref<512x128xf32, #tpu.memory_space<vmem>>, %arg6: memref<32x32xf32, #tpu.memory_space<vmem>>, %arg7: memref<1x32xf32, #tpu.memory_space<vmem>>, %arg8: memref<32x1xf32, #tpu.memory_space<vmem>>, %arg9: memref<1x1xf32, #tpu.memory_space<vmem>>, %arg10: memref<512x1xf32, #tpu.memory_space<vmem>>) attributes {dimension_semantics = [#tpu.dimension_semantics<arbitrary>], iteration_bounds = array<i64: 20>, scalar_prefetch = 0 : i64, scratch_operands = 0 : i64, tpu.core_type = #tpu.core_type<tc>, window_params = [{transform_indices = @transform_0, window_bounds = array<i64: 512, 32>}, {transform_indices = @transform_1, window_bounds = array<i64: 512, 32>}, {transform_indices = @transform_2, window_bounds = array<i64: 512, 32>}, {transform_indices = @transform_3, window_bounds = array<i64: 512, 32>}, {transform_indices = @transform_4, window_bounds = array<i64: 512, 128>}, {pipeline_mode = #tpu.pipeline_mode<synchronous>, transform_indices = @transform_5, window_bounds = array<i64: 32, 32>}, {pipeline_mode = #tpu.pipeline_mode<synchronous>, transform_indices = @transform_6, window_bounds = array<i64: 1, 32>}, {pipeline_mode = #tpu.pipeline_mode<synchronous>, transform_indices = @transform_7, window_bounds = array<i64: 32, 1>}, {pipeline_mode = #tpu.pipeline_mode<synchronous>, transform_indices = @transform_8, window_bounds = array<i64: 1, 1>}, {transform_indices = @transform_9, window_bounds = array<i64: 512, 1>}]} {
    %get3A = arith.constant 0 : index
    %get3A_0 = arith.constant 0 : index
    %get3A_1 = vector.load %arg3[%get3A, %get3A_0] : memref<512x32xf32, #tpu.memory_space<vmem>>, vector<512x32xf32>
    %get3A_2 = arith.constant 0 : index
    %get3A_3 = arith.constant 0 : index
    %get3A_4 = vector.load %arg4[%get3A_2, %get3A_3] : memref<512x32xf32, #tpu.memory_space<vmem>>, vector<512x32xf32>
    %add3A = arith.addf %get3A_1, %get3A_4 : vector<512x32xf32>
    %max3A = arith.constant 1.000000e+00 : f32
    %max3A_5 = vector.broadcast %max3A : f32 to vector<512x32xf32>
    %max3A_6 = arith.maximumf %add3A, %max3A_5 : vector<512x32xf32>
    %get3A_7 = arith.constant 0 : index
    %get3A_8 = arith.constant 0 : index
    %get3A_9 = vector.load %arg1[%get3A_7, %get3A_8] : memref<512x32xf32, #tpu.memory_space<vmem>>, vector<512x32xf32>
    %get3A_10 = arith.constant 0 : index
    %get3A_11 = arith.constant 0 : index
    %get3A_12 = vector.load %arg2[%get3A_10, %get3A_11] : memref<512x32xf32, #tpu.memory_space<vmem>>, vector<512x32xf32>
    %add3A_13 = arith.addf %get3A_9, %get3A_12 : vector<512x32xf32>
    %div3A = arith.divf %add3A_13, %max3A_6 : vector<512x32xf32>
    %get3A_14 = arith.constant 0 : index
    %get3A_15 = arith.constant 0 : index
    %get3A_16 = vector.load %arg5[%get3A_14, %get3A_15] : memref<512x128xf32, #tpu.memory_space<vmem>>, vector<512x32xf32>
    %get3A_17 = arith.constant 0 : index
    %get3A_18 = arith.constant 0 : index
    %get3A_19 = vector.load %arg6[%get3A_17, %get3A_18] : memref<32x32xf32, #tpu.memory_space<vmem>>, vector<32x32xf32>
    %dot_general3A = arith.constant dense<0.000000e+00> : vector<512x32xf32>
    %dot_general3A_20 = tpu.matmul %get3A_16, %get3A_19, %dot_general3A {dimension_numbers = #tpu.dot_dimension_numbers<[1], [0], [0], [1], [0, 0, 1, 1], [], []>, transpose_lhs_hint = false} : vector<512x32xf32>, vector<32x32xf32>, vector<512x32xf32> -> vector<512x32xf32>
    %add3A_21 = arith.addf %div3A, %dot_general3A_20 : vector<512x32xf32>
    %get3A_22 = arith.constant 0 : index
    %get3A_23 = arith.constant 0 : index
    %get3A_24 = vector.load %arg7[%get3A_22, %get3A_23] : memref<1x32xf32, #tpu.memory_space<vmem>>, vector<1x32xf32>
    %add3A_25 = vector.broadcast %get3A_24 : vector<1x32xf32> to vector<512x32xf32>
    %add3A_26 = arith.addf %add3A_21, %add3A_25 : vector<512x32xf32>
    %max3A_27 = arith.constant 0.000000e+00 : f32
    %max3A_28 = vector.broadcast %max3A_27 : f32 to vector<512x32xf32>
    %max3A_29 = arith.maximumf %add3A_26, %max3A_28 : vector<512x32xf32>
    %get3A_30 = arith.constant 0 : index
    %get3A_31 = arith.constant 0 : index
    %get3A_32 = vector.load %arg8[%get3A_30, %get3A_31] : memref<32x1xf32, #tpu.memory_space<vmem>>, vector<32x1xf32>
    %dot_general3A_33 = arith.constant dense<0.000000e+00> : vector<512x1xf32>
    %dot_general3A_34 = tpu.matmul %max3A_29, %get3A_32, %dot_general3A_33 {dimension_numbers = #tpu.dot_dimension_numbers<[1], [0], [0], [1], [0, 0, 1, 1], [], []>, transpose_lhs_hint = false} : vector<512x32xf32>, vector<32x1xf32>, vector<512x1xf32> -> vector<512x1xf32>
    %get3A_35 = arith.constant 0 : index
    %get3A_36 = arith.constant 0 : index
    %get3A_37 = vector.load %arg9[%get3A_35, %get3A_36] : memref<1x1xf32, #tpu.memory_space<vmem>>, vector<1x1xf32>
    %add3A_38 = vector.broadcast %get3A_37 : vector<1x1xf32> to vector<512x1xf32>
    %add3A_39 = arith.addf %dot_general3A_34, %add3A_38 : vector<512x1xf32>
    %logistic3A = arith.negf %add3A_39 : vector<512x1xf32>
    %logistic3A_40 = math.exp %logistic3A : vector<512x1xf32>
    %logistic3A_41 = arith.constant 1.000000e+00 : f32
    %logistic3A_42 = vector.broadcast %logistic3A_41 : f32 to vector<512x1xf32>
    %logistic3A_43 = arith.addf %logistic3A_42, %logistic3A_40 : vector<512x1xf32>
    %logistic3A_44 = arith.divf %logistic3A_42, %logistic3A_43 : vector<512x1xf32>
    %swap3A = arith.constant 0 : index
    %swap3A_45 = arith.constant 0 : index
    %swap3A_46 = vector.load %arg10[%swap3A, %swap3A_45] : memref<512x1xf32, #tpu.memory_space<vmem>>, vector<512x1xf32>
    tpu.vector_store %arg10[%swap3A, %swap3A_45], %logistic3A_44 {strides = array<i32>} : memref<512x1xf32, #tpu.memory_space<vmem>>, vector<512x1xf32>,
    return
  }
  func.func @transform_0(%arg0: i32) -> (i32, i32) {
    %c0_i32 = arith.constant 0 : i32
    %c0_i32_0 = arith.constant 0 : i32
    return %arg0, %c0_i32 : i32, i32
  }
  func.func @transform_1(%arg0: i32) -> (i32, i32) {
    %c0_i32 = arith.constant 0 : i32
    %c0_i32_0 = arith.constant 0 : i32
    return %arg0, %c0_i32 : i32, i32
  }
  func.func @transform_2(%arg0: i32) -> (i32, i32) {
    %c0_i32 = arith.constant 0 : i32
    %c0_i32_0 = arith.constant 0 : i32
    return %arg0, %c0_i32 : i32, i32
  }
  func.func @transform_3(%arg0: i32) -> (i32, i32) {
    %c0_i32 = arith.constant 0 : i32
    %c0_i32_0 = arith.constant 0 : i32
    return %arg0, %c0_i32 : i32, i32
  }
  func.func @transform_4(%arg0: i32) -> (i32, i32) {
    %c0_i32 = arith.constant 0 : i32
    %c0_i32_0 = arith.constant 0 : i32
    return %arg0, %c0_i32 : i32, i32
  }
  func.func @transform_5(%arg0: i32) -> (i32, i32) {
    %c0_i32 = arith.constant 0 : i32
    %c0_i32_0 = arith.constant 0 : i32
    %c0_i32_1 = arith.constant 0 : i32
    return %c0_i32, %c0_i32_0 : i32, i32
  }
  func.func @transform_6(%arg0: i32) -> (i32, i32) {
    %c0_i32 = arith.constant 0 : i32
    %c0_i32_0 = arith.constant 0 : i32
    %c0_i32_1 = arith.constant 0 : i32
    return %c0_i32, %c0_i32_0 : i32, i32
  }
  func.func @transform_7(%arg0: i32) -> (i32, i32) {
    %c0_i32 = arith.constant 0 : i32
    %c0_i32_0 = arith.constant 0 : i32
    %c0_i32_1 = arith.constant 0 : i32
    return %c0_i32, %c0_i32_0 : i32, i32
  }
  func.func @transform_8(%arg0: i32) -> (i32, i32) {
    %c0_i32 = arith.constant 0 : i32
    %c0_i32_0 = arith.constant 0 : i32
    %c0_i32_1 = arith.constant 0 : i32
    return %c0_i32, %c0_i32_0 : i32, i32
  }
  func.func @transform_9(%arg0: i32) -> (i32, i32) {
    %c0_i32 = arith.constant 0 : i32
    %c0_i32_0 = arith.constant 0 : i32
    return %arg0, %c0_i32 : i32, i32
  }
}

</mosaic_0001>

<sc_bundles>
// kernel: kernel.13.cloned.1.call-start
scs
__scs_entry_jumppad:
0x0: {  	(pc) =	sbr.rel $0x88, $3  }
0x1: {  	(tag) =	ssettag $0x0;
	lr =	simm.s32 $0x1  }
0x2: {  	[smem:$0x3F8F] =	sst lr;
	_ =	strace $0xD0000000  }
0x3: {  	_ = 	snop  }
0x4: {  	_ = 	snop  }
0x5: {  	_ = 	snop  }
0x6: {  	_ = 	snop  }
0x7: {  	_ = 	snop  }
__scs_overlays_trampoline_lowered:
0x8: {  	[smem:$0x3F9E] =	sst s0  }
0x9: {  	[smem:$0x3F9F] =	sst s1  }
0xa: {  	[smem:$0x3FA0] =	sst s2  }
0xb: {  	[smem:$0x3FA1] =	sst s3  }
0xc: {  	[smem:$0x3FA2] =	sst s4  }
0xd: {  	[smem:$0x3FA3] =	sst s5  }
0xe: {  	[smem:$0x3FA4] =	sst s6  }
0xf: {  	[smem:$0x3FA5] =	sst s7  }
0x10: {  	[smem:$0x3FA6] =	sst s8  }
0x11: {  	[smem:$0x3FA7] =	sst s9;
	s0 =	simm.s32 @!p0 $0x0  }
0x12: {  	s1 =	sld [smem:$0x3F8D];
	s0 =	simm.s32 @p0 $0x1  }
0x13: {  	[smem:$0x3FA8] =	sst s0;
	s0 =	simm.s32 @!p1 $0x0  }
0x14: {  	s2 =	sld [smem:$0x3F8C];
	s0 =	simm.s32 @p1 $0x1  }
0x15: {  	[smem:$0x3FA9] =	sst s0;
	s0 =	simm.s32 @!p2 $0x0  }
0x16: {  	s3 =	sld [smem:$0x3FDB];
	s0 =	simm.s32 @p2 $0x1  }
0x17: {  	s4 =	simm.s32 $0x1BF5;
	[smem:$0x3FAB] =	sst s0  }
0x18: {  	s0 =	sld [smem:$0x3F8E];
	_ =	swait.ge [sflag:s4], $0x0  }
0x19: {  	s7 =	sld [smem:$0x3F8F]  }
0x1a: {  	s8 =	sadd.s32 $0xFFFFE003, lr  }
0x1b: {  	s9 =	sadd.s32 $0xFFFFFEF7, lr;
	s5 =	simm.s32 $0xFFFFFFFF;
	p2 =	slt.u32 s8, $0xFFFFF086  }
0x1c: {  	p1 =	slt.u32 s9, $0xF7A;
	s5 =	simm.s32 @!p2 $0x0  }
0x1d: {  	s5 =	simm.s32 @p1 $0x1;
	p0 =	seq.s32 s7, s2  }
0x1e: {  	s7 =	smul.u32 @!p0 $0xF7A, s2;
	p2 =	seq.s32 @!p0 s5, $0x0  }
0x1f: {  	s9 =	smul.u32 $0xF7A, s1;
	s8 =	simm.s32 @!p0 $0x1BF5;
	p2 =	por !p2, p0  }
0x20: {  	[sflag:s8] =	ssyncset.s32 @!p0 $0xFFFFF086;
	s6 =	sadd.s32 @!p0 s3, s7;
	s7 =	simm.s32 @!p0 $0x108  }
0x21: {  	s3 =	sadd.s32 s3, s9;
	s6 =	sadd.s32 @!p0 $0x88, s6;
	s7 =	simm.s32 @p2 $0x1082  }
0x22: {  	[simem:s7], [sflag:s8] =	dma.local @!p0 [hbm:s6], $0xF7A  }
0x23: {  	s9 =	sor.u32 $0xD0000000, s2;
	s6 =	simm.s32 $0x108;
	_ =	swait.ge @!p0 [sflag:s8], $0x0  }
0x24: {  	s3 =	sadd.s32 $0x88, s3;
	s6 =	simm.s32 @!p1 $0x1082;
	[sflag:s4] =	ssyncset.s32 $0xFFFFF086  }
0x25: {  	[simem:s6], [sflag:s4] =	dma.local [hbm:s3], $0xF7A  }
0x26: {  	[smem:$0x3F8F] =	sst s1;
	(tag) =	ssettag s2;
	_ =	strace s9  }
0x27: {  	s1 =	sld [smem:$0x3F9F]  }
0x28: {  	s2 =	sld [smem:$0x3FA0]  }
0x29: {  	s4 =	sld [smem:$0x3FA2]  }
0x2a: {  	p0 =	seq.s32 s5, $0x0;
	s5 =	sld [smem:$0x3FA3]  }
0x2b: {  	s6 =	sld [smem:$0x3FA4]  }
0x2c: {  	s7 =	sld [smem:$0x3FA5]  }
0x2d: {  	s3 =	simm.s32 $0x108;
	s8 =	sld [smem:$0x3FA6]  }
0x2e: {  	s3 =	simm.s32 @!p0 $0x1082;
	s9 =	sld [smem:$0x3FA7]  }
0x2f: {  	lr =	sadd.s32 s0, s3;
	s0 =	sld [smem:$0x3F9E]  }
0x30: {  	s3 =	sld [smem:$0x3FA1]  }
0x31: {  	[smem:$0x3FAA] =	sst s10  }
0x32: {  	s10 =	sld [smem:$0x3FA8];
	_ =	sdelay $0x3  }
0x33: {  	p0 =	seq.s32 s10, $0x1;
	s10 =	sld [smem:$0x3FAA];
	_ =	sdelay $0x3  }
0x34: {  	[smem:$0x3FAA] =	sst s10  }
0x35: {  	s10 =	sld [smem:$0x3FA9];
	_ =	sdelay $0x3  }
0x36: {  	p1 =	seq.s32 s10, $0x1;
	s10 =	sld [smem:$0x3FAA];
	_ =	sdelay $0x3  }
0x37: {  	[smem:$0x3FAA] =	sst s10  }
0x38: {  	s10 =	sld [smem:$0x3FAB]  }
0x39: {  	_ = 	snop;
	(pc) =	sbr.ind lr, $3  }
0x3a: {  	_ = 	snop  }
0x3b: {  	_ = 	snop  }
0x3c: {  	p2 =	seq.s32 s10, $0x1;
	s10 =	sld [smem:$0x3FAA]  }
0x3d: {  	_ =	shalt  }
0x3e: {  	_ =	shalt  }
0x3f: {  	_ =	shalt  }
0x40: {  	_ =	shalt  }
0x41: {  	_ =	shalt  }
0x42: {  	_ =	shalt  }
0x43: {  	_ =	shalt  }
0x44: {  	_ =	shalt  }
0x45: {  	_ =	shalt  }
0x46: {  	_ =	shalt  }
0x47: {  	_ =	shalt  }
0x48: {  	_ =	shalt  }
0x49: {  	_ =	shalt  }
0x4a: {  	_ =	shalt  }
0x4b: {  	_ =	shalt  }
0x4c: {  	_ =	shalt  }
0x4d: {  	_ =	shalt  }
0x4e: {  	_ =	shalt  }
0x4f: {  	_ =	shalt  }
0x50: {  	_ =	shalt  }
0x51: {  	_ =	shalt  }
0x52: {  	_ =	shalt  }
0x53: {  	_ =	shalt  }
0x54: {  	_ =	shalt  }
0x55: {  	_ =	shalt  }
0x56: {  	_ =	shalt  }
0x57: {  	_ =	shalt  }
0x58: {  	_ =	shalt  }
0x59: {  	_ =	shalt  }
0x5a: {  	_ =	shalt  }
0x5b: {  	_ =	shalt  }
0x5c: {  	_ =	shalt  }
0x5d: {  	_ =	shalt  }
0x5e: {  	_ =	shalt  }
0x5f: {  	_ =	shalt  }
0x60: {  	_ =	shalt  }
0x61: {  	_ =	shalt  }
0x62: {  	_ =	shalt  }
0x63: {  	_ =	shalt  }
0x64: {  	_ =	shalt  }
0x65: {  	_ =	shalt  }
0x66: {  	_ =	shalt  }
0x67: {  	_ =	shalt  }
0x68: {  	_ =	shalt  }
0x69: {  	_ =	shalt  }
0x6a: {  	_ =	shalt  }
0x6b: {  	_ =	shalt  }
0x6c: {  	_ =	shalt  }
0x6d: {  	_ =	shalt  }
0x6e: {  	_ =	shalt  }
0x6f: {  	_ =	shalt  }
0x70: {  	_ =	shalt  }
0x71: {  	_ =	shalt  }
0x72: {  	_ =	shalt  }
0x73: {  	_ =	shalt  }
0x74: {  	_ =	shalt  }
0x75: {  	_ =	shalt  }
0x76: {  	_ =	shalt  }
0x77: {  	_ =	shalt  }
0x78: {  	_ =	shalt  }
0x79: {  	_ =	shalt  }
0x7a: {  	_ =	shalt  }
0x7b: {  	_ =	shalt  }
0x7c: {  	_ =	shalt  }
0x7d: {  	_ =	shalt  }
0x7e: {  	_ =	shalt  }
0x7f: {  	_ =	shalt  }
0x80: {  	_ =	shalt  }
0x81: {  	_ =	shalt  }
0x82: {  	_ =	shalt  }
0x83: {  	_ =	shalt  }
0x84: {  	_ =	shalt  }
0x85: {  	_ =	shalt  }
0x86: {  	_ =	shalt  }
0x87: {  	_ =	shalt  }
.Lfunc_end0:
.L_simem_size_0:
called_computation_lowered:
.L_overlay_start_0:
0x88: {  	s2 =	sld [smem:$0x3FD9]  }
0x89: {  	s3 =	sld [smem:$0x3FFE];
	_ =	sdelay $0x1  }
0x8a: {  	s1 =	srdreg.scid  }
0x8b: {  	s0 =	sand.u32 $0x1, s1  }
0x8c: {  	s17 =	sshll.u32 s0, $0xA;
	s2 =	sadd.s32 s3, s2  }
0x8d: {  	s2 =	sadd.s32 s2, s17  }
0x8e: {  	[smem:$0x3FB6] =	sst s2  }
0x8f: {  	_ = 	snop  }
0x90: {  	(tm) =	ssettm $0x1  }
0x91: {  	s18 =	sld [smem:$0x3FFB];
	_ =	sdelay $0x3  }
0x92: {  	_ =	strace s18  }
0x93: {  	s2 =	sld [smem:$0x3FFC];
	_ =	sdelay $0x3  }
0x94: {  	_ =	strace s2  }
0x95: {  	s2 =	sld [smem:$0x3FFD];
	_ =	sdelay $0x3  }
0x96: {  	_ =	strace s2  }
0x97: {  	_ =	strace $0x8FFFFFFF  }
0x98: {  	s19 =	sld [smem:$0x3FDB];
	_ =	sdelay $0x1  }
0x99: {  	s20 =	simm.s32 $_scs_section_size  }
0x9a: {  	s4 =	simm.s32 $_size__tile_overlayer_lowered;
	s5 =	simm.s32 $_tile_overlayer_lowered  }
0x9b: {  	s6 =	simm.s32 $0x1BFF;
	s21 =	sshll.u32 s5, $0x1;
	s3 =	sadd.s32 s20, s19  }
0x9c: {  	s22 =	simm.s32 $0x0;
	s4 =	sshll.u32 s4, $0x1;
	s5 =	sadd.s32 s21, s3  }
0x9d: {  	[timem:s22], [sflag:s6] =	dma.local [hbm:s5], s4  }
0x9e: {  	_ =	swait.ge [sflag:s6], s4  }
0x9f: {  	s4 =	ssub.s32 $0x0, s4;
	[sflag:s6] =	ssyncset.done $0x0  }
0xa0: {  	[sflag:s6] =	ssyncadd.s32 s4;
	_ =	sdelay $0x1  }
0xa1: {  	s23 =	simm.s32 $0x1B8B  }
0xa2: {  	_ =	swait.ge [sflag:s23], $0x1  }
0xa3: {  	[sflag:s23] =	ssyncset.done $0x0  }
0xa4: {  	[sflag:s23] =	ssyncadd.s32 $0xFFFFFFFF  }
0xa5: {  	s4 =	sld [smem:$0x0]  }
0xa6: {  	s5 =	sand.u32 $0xFFFFFFFE, s1  }
0xa7: {  	p0 =	sne.s32 s1, s5  }
0xa8: {  	s5 =	sshll.u32 @p0 s5, $0xE  }
0xa9: {  	s5 =	sadd.s32 @p0 $0x11B8D, s5;
	s6 =	sshll.u32 @p0 s4, $0x11  }
0xaa: {  	s5 =	sor.u32 @p0 s6, s5  }
0xab: {  	[sflag:s5] =	ssyncadd.remote.s32 @p0 $0x1;
	_ =	sdelay $0x1  }
0xac: {  	s5 =	simm.s32 @p0 $0x1B8D  }
0xad: {  	_ =	swait.eq @p0 [sflag:s5], $0x1  }
0xae: {  	[sflag:s5] =	ssyncadd.s32 @p0 $0xFFFFFFFF  }
0xaf: {  	s6 =	sshll.u32 @!p0 s1, $0xE  }
0xb0: {  	s6 =	sor.u32 @!p0 $0x4000, s6;
	s5 =	simm.s32 @!p0 $0x1B8D  }
0xb1: {  	s4 =	sshll.u32 @!p0 s4, $0x11;
	s6 =	sadd.s32 @!p0 $0x11B8D, s6;
	_ =	swait.eq @!p0 [sflag:s5], $0x1  }
0xb2: {  	s4 =	sor.u32 @!p0 s4, s6;
	[sflag:s5] =	ssyncadd.s32 @!p0 $0xFFFFFFFF  }
0xb3: {  	s25 =	simm.s32 $0x1B8E;
	s24 =	sld [smem:$0x3FFE];
	[sflag:s4] =	ssyncadd.remote.s32 @!p0 $0x1  }
0xb4: {  	s26 =	simm.s32 $execute0_lowered;
	[smem:$0x3FD2] =	sst s25  }
0xb5: {  	s5 =	sshll.u32 s26, $0x1;
	_ =	strace $0x80000049;
	[dreg:$0x1] =	wrdreg $0xFFFFFFFF  }
0xb6: {  	s28 =	simm.s32 $_size_execute0_lowered;
	s3 =	sadd.s32 s3, s5;
	[dreg:$0x0] =	wrdreg $0x0  }
0xb7: {  	s5 =	sshll.u32 s28, $0x1;
	[dreg:$0x2] =	wrdreg s3  }
0xb8: {  	[dreg:$0x3] =	wrdreg s5  }
0xb9: {  	[dreg:$0x4] =	wrdreg $0xC0  }
0xba: {  	_ =	task [dreg:s22], $0x5FFFF  }
0xbb: {  	[dreg:$0x1] =	wrdreg $0xFFFFFFFF  }
0xbc: {  	[dreg:$0x0] =	wrdreg $0x60  }
0xbd: {  	[dreg:$0x2] =	wrdreg s24  }
0xbe: {  	[dreg:$0x3] =	wrdreg $0x54000  }
0xbf: {  	[dreg:$0x4] =	wrdreg $0x9  }
0xc0: {  	_ =	task.clear_ibuf [dreg:s22], $0x5FFFF;
	_ =	strace $0x90000049  }
0xc1: {  	s29 =	simm.s32 $0x9;
	_ =	strace $0x8000004B  }
0xc2: {  	_ =	swait.ge [sflag:s29], $0x1  }
0xc3: {  	[sflag:s29] =	ssyncadd.s32 $0xFFFFFFFF  }
0xc4: {  	_ =	strace $0x9000004B  }
0xc5: {  	_ =	sfence  }
0xc6: {  	s30 =	sld [smem:$0x0];
	_ =	sdelay $0x2  }
0xc7: {  	s31 =	sshll.u32 s1, $0xD;
	s1 =	sshrl.u32 s1, $0x2  }
0xc8: {  	s4 =	sand.u32 $0x4000, s31;
	s1 =	sadd.s32 s1, s30  }
0xc9: {  	s0 =	sor.u32 s4, s0;
	s1 =	sshll.u32 s1, $0x11  }
0xca: {  	s0 =	sor.u32 s1, s0  }
0xcb: {  	s0 =	sadd.s32 $0x8F2B, s0  }
0xcc: {  	[sflag:s0] =	ssyncadd.remote.s32 $0x1  }
0xcd: {  	_ =	sfence.sel $0xFFFF  }
0xce: {  	[dreg:$0x0] =	wrdreg $0xFFFFFFFF;
	(pc) =	sbr.abs _section_cstart, $3  }
0xcf: {  	[dreg:$0x1] =	wrdreg $0xFFFFFFFF  }
0xd0: {  	_ =	task.clear_ibuf [dreg:s22], $0x2FFFF;
	_ =	strace $0x9FFFFFFF  }
0xd1: {  	(tm) =	ssettm $0x7FFFFFFF  }
tec
execute0_lowered:
.L_overlay_start_1:
0x0: {  	(tag) =	ssettag $0x1  }
0x1: {  	s5 =	rddreg [dreg:$0x0]  }
0x2: {  	s0 =	srdreg.scid;
	s2 =	rddreg [dreg:$0x1]  }
0x3: {  	s3 =	simm.s32 $0x0;
	s4 =	sand.u32 $0x1, s0;
	s0 =	stileid.u32  }
0x4: {  	s13 =	simm.s32 $0x80;
	s14 =	simm.s32 $0x1;
	s7 =	smul.u32 $0x14000, s0  }
0x5: {  	s15 =	simm.s32 $0x0;
	[smem:$0x7FF] =	sst s3;
	s8 =	smul.u32 $0x140000, s4  }
0x6: {  	s1 =	sshll.u32 s4, $0x4;
	s29 =	ssub.s32 $0x2, s4;
	s10 =	smul.u32 $0x50000, s0  }
0x7: {  	s4 =	sadd.s32 $0x2DE800, s5;
	s11 =	sshll.u32 s0, $0x6;
	s1 =	sor.u32 s0, s1  }
0x8: {  	s30 =	sshrl.u32 s29, $0x1;
	s11 =	sor.u32 $0x1C02, s11;
	s6 =	smul.u32 $0x280, s1  }
0x9: {  	s1 =	rddreg [dreg:$0x2];
	_ =	strace $0x8000004A;
	s9 =	sshrl.u32 s7, $0x3  }
0xa: {  	s7 =	sadd.s32 s7, s8;
	s8 =	ssub.s32 s29, s30;
	s31 =	sshrl.u32 s10, $0x2  }
0xb: {  	s10 =	simm.s32 $0x1400;
	s9 =	sadd.s32 s9, s5;
	s7 =	sshrl.u32 s7, $0x3  }
0xc: {  	s12 =	sadd.s32 s31, s2;
	s8 =	smax.u32 s8, $0x1;
	s6 =	sadd.s32 s6, s5  }
0xd: {  	s7 =	sadd.s32 s7, s5;
	s12 =	sshrl.u32 s12, $0x3;
	s5 =	sadd.s32 $0x2B1800, s6  }
0xe: {  	s6 =	sadd.s32 $0x2B6800, s9;
	s7 =	sadd.s32 $0x2DF000, s7;
	s9 =	simm.s32 $0x2  }
.LBB2_1:
0xf: {  	[tilespmem:s3], [sflag:$0x2] =	stream.linear.gather [hbm4b:s5+s3], $0x1400, $0x38;
	[tilespmem:$0xA400] =	vst v63  }
0x10: {  	_ =	swait.ge [sflag:s9], $0x1400  }
0x11: {  	[sflag:s9] =	ssyncset.done $0x0  }
0x12: {  	[sflag:s9] =	ssyncadd.s32 $0xFFFFEC00  }
0x13: {  	[tilespmem:s10], [sflag:$0x2] =	stream.linear.gather [hbm4b:s4+s3], $0x4000, $0x38;
	[tilespmem:$0xA400] =	vst v63  }
0x14: {  	_ =	swait.ge [sflag:s9], $0x4000  }
0x15: {  	[sflag:s9] =	ssyncset.done $0x0  }
0x16: {  	[sflag:s9] =	ssyncadd.s32 $0xFFFFC000  }
0x17: {  	[spmem:s12], [sflag:s11] =	dma.local [hbm:s6], $0x2800  }
0x18: {  	_ =	swait.ge [sflag:s9], $0x2800  }
0x19: {  	[sflag:s9] =	ssyncset.done $0x0  }
0x1a: {  	[sflag:s9] =	ssyncadd.s32 $0xFFFFD800  }
0x1b: {  	s16 =	simm.s32 $0x0;
	[bflag:$0x0] =	sbarrier.arrive $0xFFFF  }
0x1c: {  	[spmem:s2] =	stream.indirect.scatter.add.f32 [tilespmem:s10], [sflag:$0x1], $0x20, s16, s13, $0xb8;
	[tilespmem:$0xA400] =	vst v63  }
0x1d: {  	s31 =	simm.s32 $0x80  }
0x1e: {  	[spmem:s2] =	stream.indirect.scatter.add.f32 [tilespmem:s10], [sflag:$0x1], $0x20, s31, s13, $0xb8;
	[tilespmem:$0xA400] =	vst v63  }
0x1f: {  	_ =	swait.ge [sflag:s14], $0x1000  }
0x20: {  	[sflag:s14] =	ssyncset.done $0x0  }
0x21: {  	[sflag:s14] =	ssyncadd.s32 $0xFFFFF000  }
0x22: {  	_ =	swait.ge [sflag:s14], $0x1000  }
0x23: {  	s17 =	simm.s32 $0x800;
	s16 =	simm.s32 $0x400;
	[sflag:s14] =	ssyncset.done $0x0  }
.LBB2_2:
0x24: {  	s18 =	sshra.s32 s16, $0x2  }
0x25: {  	[sflag:s14] =	ssyncadd.s32 $0xFFFFF000;
	s16 =	smov.u32 s17;
	s19 =	sadd.s32 $0x400, s17  }
0x26: {  	[spmem:s2] =	stream.indirect.scatter.add.f32 [tilespmem:s10], [sflag:$0x1], $0x20, s18, s13, $0xb8;
	[tilespmem:$0xA400] =	vst v63  }
0x27: {  	p0 =	sne.s32 s17, $0x4C00;
	s17 =	sadd.s32 $0x80, s18  }
0x28: {  	[spmem:s2] =	stream.indirect.scatter.add.f32 [tilespmem:s10], [sflag:$0x1], $0x20, s17, s13, $0xb8;
	[tilespmem:$0xA400] =	vst v63  }
.Ltmp0:
0x29: {  	_ =	swait.ge [sflag:s14], $0x1000;
	(pc) =	sbr.rel @p0 .LBB2_2-.Ltmp0, $4  }
0x2a: {  	[sflag:s14] =	ssyncset.done $0x0  }
0x2b: {  	[sflag:s14] =	ssyncadd.s32 $0xFFFFF000  }
0x2c: {  	_ =	swait.ge [sflag:s14], $0x1000  }
0x2d: {  	s17 =	smov.u32 s19;
	[sflag:s14] =	ssyncset.done $0x0  }
0x2e: {  	s16 =	sshra.s32 s16, $0x2;
	[sflag:s14] =	ssyncadd.s32 $0xFFFFF000  }
0x2f: {  	[spmem:s2] =	stream.indirect.scatter.add.f32 [tilespmem:s10], [sflag:$0x1], $0x20, s16, s13, $0xb8;
	[tilespmem:$0xA400] =	vst v63  }
0x30: {  	s16 =	sadd.s32 $0x80, s16  }
0x31: {  	[spmem:s2] =	stream.indirect.scatter.add.f32 [tilespmem:s10], [sflag:$0x1], $0x20, s16, s13, $0xb8;
	[tilespmem:$0xA400] =	vst v63  }
0x32: {  	_ =	swait.ge [sflag:s14], $0x1000  }
0x33: {  	[sflag:s14] =	ssyncset.done $0x0  }
0x34: {  	[sflag:s14] =	ssyncadd.s32 $0xFFFFF000  }
0x35: {  	_ =	swait.ge [sflag:s14], $0x1000  }
0x36: {  	s15 =	sadd.s32 $0x1, s15;
	[sflag:s14] =	ssyncset.done $0x0  }
0x37: {  	p0 =	sne.s32 s15, s8;
	[sflag:s14] =	ssyncadd.s32 $0xFFFFF000  }
.Ltmp1:
0x38: {  	[bflag:$0x0] =	sbarrier.arrive $0xFFFF;
	(pc) =	sbr.rel @p0 .LBB2_1-.Ltmp1, $4  }
0x39: {  	[hbm:s7], [sflag:s11] =	dma.local [spmem:s12], $0x2800  }
0x3a: {  	_ =	swait.ge [sflag:s9], $0x2800  }
0x3b: {  	[sflag:s9] =	ssyncset.done $0x0  }
0x3c: {  	[sflag:s9] =	ssyncadd.s32 $0xFFFFD800  }
0x3d: {  	_ =	sfence.sel $0x180000  }
0x3e: {  	[bflag:$0x0] =	sbarrier.arrive $0xFFFF  }
0x3f: {  	p0 =	sne.s32 s0, $0x0;
	_ =	strace $0x9000004A  }
0x40: {  	s0 =	sadd.s32 @!p0 $0x100000, s1;
	[bflag:$0x2] =	sbarrier.arrive $0xFFFF  }
0x41: {  	[sflag:s0] =	ssyncadd.tile.s32 @!p0 $0x1;
	_ =	shalt  }
.Lfunc_end2:
_tile_overlayer_lowered:
.L_overlay_start_2:
0x42: {  	(tag) =	ssettag $0x2  }
0x43: {  	s0 =	rddreg [dreg:$0x0];
	s2 =	stileid.u32  }
0x44: {  	s1 =	rddreg [dreg:$0x1];
	p0 =	sne.s32 s2, $0x0  }
0x45: {  	s3 =	rddreg [dreg:$0x2];
	[bflag:$0x3] =	sbarrier.arrive $0xFFFF;
	s2 =	simm.s32 @!p0 $0x1C02  }
0x46: {  	[timem:s3], [sflag:s2] =	dma.local @!p0 [hbm:s0], s1  }
0x47: {  	s0 =	simm.s32 @!p0 $0x2  }
0x48: {  	_ =	swait.ge @!p0 [sflag:s0], s1  }
0x49: {  	s1 =	ssub.s32 @!p0 $0x0, s1;
	[sflag:s0] =	ssyncset.done @!p0 $0x0  }
0x4a: {  	[sflag:s0] =	ssyncadd.s32 @!p0 s1  }
0x4b: {  	[bflag:$0x3] =	sbarrier.arrive $0xFFFF  }
0x4c: {  	_ =	shalt  }

// kernel: kernel.16.cloned.1.call-start
scs
__scs_entry_jumppad:
0x0: {  	(pc) =	sbr.rel $0x88, $3  }
0x1: {  	(tag) =	ssettag $0x0;
	lr =	simm.s32 $0x1  }
0x2: {  	[smem:$0x3F8F] =	sst lr;
	_ =	strace $0xD0000000  }
0x3: {  	_ = 	snop  }
0x4: {  	_ = 	snop  }
0x5: {  	_ = 	snop  }
0x6: {  	_ = 	snop  }
0x7: {  	_ = 	snop  }
__scs_overlays_trampoline_lowered:
0x8: {  	[smem:$0x3F9E] =	sst s0  }
0x9: {  	[smem:$0x3F9F] =	sst s1  }
0xa: {  	[smem:$0x3FA0] =	sst s2  }
0xb: {  	[smem:$0x3FA1] =	sst s3  }
0xc: {  	[smem:$0x3FA2] =	sst s4  }
0xd: {  	[smem:$0x3FA3] =	sst s5  }
0xe: {  	[smem:$0x3FA4] =	sst s6  }
0xf: {  	[smem:$0x3FA5] =	sst s7  }
0x10: {  	[smem:$0x3FA6] =	sst s8  }
0x11: {  	[smem:$0x3FA7] =	sst s9;
	s0 =	simm.s32 @!p0 $0x0  }
0x12: {  	s1 =	sld [smem:$0x3F8D];
	s0 =	simm.s32 @p0 $0x1  }
0x13: {  	[smem:$0x3FA8] =	sst s0;
	s0 =	simm.s32 @!p1 $0x0  }
0x14: {  	s2 =	sld [smem:$0x3F8C];
	s0 =	simm.s32 @p1 $0x1  }
0x15: {  	[smem:$0x3FA9] =	sst s0;
	s0 =	simm.s32 @!p2 $0x0  }
0x16: {  	s3 =	sld [smem:$0x3FDB];
	s0 =	simm.s32 @p2 $0x1  }
0x17: {  	s4 =	simm.s32 $0x1BF5;
	[smem:$0x3FAB] =	sst s0  }
0x18: {  	s0 =	sld [smem:$0x3F8E];
	_ =	swait.ge [sflag:s4], $0x0  }
0x19: {  	s7 =	sld [smem:$0x3F8F]  }
0x1a: {  	s8 =	sadd.s32 $0xFFFFE003, lr  }
0x1b: {  	s9 =	sadd.s32 $0xFFFFFEF7, lr;
	s5 =	simm.s32 $0xFFFFFFFF;
	p2 =	slt.u32 s8, $0xFFFFF086  }
0x1c: {  	p1 =	slt.u32 s9, $0xF7A;
	s5 =	simm.s32 @!p2 $0x0  }
0x1d: {  	s5 =	simm.s32 @p1 $0x1;
	p0 =	seq.s32 s7, s2  }
0x1e: {  	s7 =	smul.u32 @!p0 $0xF7A, s2;
	p2 =	seq.s32 @!p0 s5, $0x0  }
0x1f: {  	s9 =	smul.u32 $0xF7A, s1;
	s8 =	simm.s32 @!p0 $0x1BF5;
	p2 =	por !p2, p0  }
0x20: {  	[sflag:s8] =	ssyncset.s32 @!p0 $0xFFFFF086;
	s6 =	sadd.s32 @!p0 s3, s7;
	s7 =	simm.s32 @!p0 $0x108  }
0x21: {  	s3 =	sadd.s32 s3, s9;
	s6 =	sadd.s32 @!p0 $0x88, s6;
	s7 =	simm.s32 @p2 $0x1082  }
0x22: {  	[simem:s7], [sflag:s8] =	dma.local @!p0 [hbm:s6], $0xF7A  }
0x23: {  	s9 =	sor.u32 $0xD0000000, s2;
	s6 =	simm.s32 $0x108;
	_ =	swait.ge @!p0 [sflag:s8], $0x0  }
0x24: {  	s3 =	sadd.s32 $0x88, s3;
	s6 =	simm.s32 @!p1 $0x1082;
	[sflag:s4] =	ssyncset.s32 $0xFFFFF086  }
0x25: {  	[simem:s6], [sflag:s4] =	dma.local [hbm:s3], $0xF7A  }
0x26: {  	[smem:$0x3F8F] =	sst s1;
	(tag) =	ssettag s2;
	_ =	strace s9  }
0x27: {  	s1 =	sld [smem:$0x3F9F]  }
0x28: {  	s2 =	sld [smem:$0x3FA0]  }
0x29: {  	s4 =	sld [smem:$0x3FA2]  }
0x2a: {  	p0 =	seq.s32 s5, $0x0;
	s5 =	sld [smem:$0x3FA3]  }
0x2b: {  	s6 =	sld [smem:$0x3FA4]  }
0x2c: {  	s7 =	sld [smem:$0x3FA5]  }
0x2d: {  	s3 =	simm.s32 $0x108;
	s8 =	sld [smem:$0x3FA6]  }
0x2e: {  	s3 =	simm.s32 @!p0 $0x1082;
	s9 =	sld [smem:$0x3FA7]  }
0x2f: {  	lr =	sadd.s32 s0, s3;
	s0 =	sld [smem:$0x3F9E]  }
0x30: {  	s3 =	sld [smem:$0x3FA1]  }
0x31: {  	[smem:$0x3FAA] =	sst s10  }
0x32: {  	s10 =	sld [smem:$0x3FA8];
	_ =	sdelay $0x3  }
0x33: {  	p0 =	seq.s32 s10, $0x1;
	s10 =	sld [smem:$0x3FAA];
	_ =	sdelay $0x3  }
0x34: {  	[smem:$0x3FAA] =	sst s10  }
0x35: {  	s10 =	sld [smem:$0x3FA9];
	_ =	sdelay $0x3  }
0x36: {  	p1 =	seq.s32 s10, $0x1;
	s10 =	sld [smem:$0x3FAA];
	_ =	sdelay $0x3  }
0x37: {  	[smem:$0x3FAA] =	sst s10  }
0x38: {  	s10 =	sld [smem:$0x3FAB]  }
0x39: {  	_ = 	snop;
	(pc) =	sbr.ind lr, $3  }
0x3a: {  	_ = 	snop  }
0x3b: {  	_ = 	snop  }
0x3c: {  	p2 =	seq.s32 s10, $0x1;
	s10 =	sld [smem:$0x3FAA]  }
0x3d: {  	_ =	shalt  }
0x3e: {  	_ =	shalt  }
0x3f: {  	_ =	shalt  }
0x40: {  	_ =	shalt  }
0x41: {  	_ =	shalt  }
0x42: {  	_ =	shalt  }
0x43: {  	_ =	shalt  }
0x44: {  	_ =	shalt  }
0x45: {  	_ =	shalt  }
0x46: {  	_ =	shalt  }
0x47: {  	_ =	shalt  }
0x48: {  	_ =	shalt  }
0x49: {  	_ =	shalt  }
0x4a: {  	_ =	shalt  }
0x4b: {  	_ =	shalt  }
0x4c: {  	_ =	shalt  }
0x4d: {  	_ =	shalt  }
0x4e: {  	_ =	shalt  }
0x4f: {  	_ =	shalt  }
0x50: {  	_ =	shalt  }
0x51: {  	_ =	shalt  }
0x52: {  	_ =	shalt  }
0x53: {  	_ =	shalt  }
0x54: {  	_ =	shalt  }
0x55: {  	_ =	shalt  }
0x56: {  	_ =	shalt  }
0x57: {  	_ =	shalt  }
0x58: {  	_ =	shalt  }
0x59: {  	_ =	shalt  }
0x5a: {  	_ =	shalt  }
0x5b: {  	_ =	shalt  }
0x5c: {  	_ =	shalt  }
0x5d: {  	_ =	shalt  }
0x5e: {  	_ =	shalt  }
0x5f: {  	_ =	shalt  }
0x60: {  	_ =	shalt  }
0x61: {  	_ =	shalt  }
0x62: {  	_ =	shalt  }
0x63: {  	_ =	shalt  }
0x64: {  	_ =	shalt  }
0x65: {  	_ =	shalt  }
0x66: {  	_ =	shalt  }
0x67: {  	_ =	shalt  }
0x68: {  	_ =	shalt  }
0x69: {  	_ =	shalt  }
0x6a: {  	_ =	shalt  }
0x6b: {  	_ =	shalt  }
0x6c: {  	_ =	shalt  }
0x6d: {  	_ =	shalt  }
0x6e: {  	_ =	shalt  }
0x6f: {  	_ =	shalt  }
0x70: {  	_ =	shalt  }
0x71: {  	_ =	shalt  }
0x72: {  	_ =	shalt  }
0x73: {  	_ =	shalt  }
0x74: {  	_ =	shalt  }
0x75: {  	_ =	shalt  }
0x76: {  	_ =	shalt  }
0x77: {  	_ =	shalt  }
0x78: {  	_ =	shalt  }
0x79: {  	_ =	shalt  }
0x7a: {  	_ =	shalt  }
0x7b: {  	_ =	shalt  }
0x7c: {  	_ =	shalt  }
0x7d: {  	_ =	shalt  }
0x7e: {  	_ =	shalt  }
0x7f: {  	_ =	shalt  }
0x80: {  	_ =	shalt  }
0x81: {  	_ =	shalt  }
0x82: {  	_ =	shalt  }
0x83: {  	_ =	shalt  }
0x84: {  	_ =	shalt  }
0x85: {  	_ =	shalt  }
0x86: {  	_ =	shalt  }
0x87: {  	_ =	shalt  }
.Lfunc_end0:
.L_simem_size_0:
called_computation.1_lowered:
.L_overlay_start_0:
0x88: {  	s2 =	sld [smem:$0x3FD9]  }
0x89: {  	s3 =	sld [smem:$0x3FFE];
	_ =	sdelay $0x1  }
0x8a: {  	s1 =	srdreg.scid  }
0x8b: {  	s0 =	sand.u32 $0x1, s1  }
0x8c: {  	s16 =	sshll.u32 s0, $0xA;
	s2 =	sadd.s32 s3, s2  }
0x8d: {  	s2 =	sadd.s32 s2, s16  }
0x8e: {  	[smem:$0x3FB6] =	sst s2  }
0x8f: {  	_ = 	snop  }
0x90: {  	(tm) =	ssettm $0x1  }
0x91: {  	s17 =	sld [smem:$0x3FFB];
	_ =	sdelay $0x3  }
0x92: {  	_ =	strace s17  }
0x93: {  	s2 =	sld [smem:$0x3FFC];
	_ =	sdelay $0x3  }
0x94: {  	_ =	strace s2  }
0x95: {  	s2 =	sld [smem:$0x3FFD];
	_ =	sdelay $0x3  }
0x96: {  	_ =	strace s2  }
0x97: {  	_ =	strace $0x8FFFFFFF  }
0x98: {  	s18 =	sld [smem:$0x3FDB];
	_ =	sdelay $0x1  }
0x99: {  	s19 =	simm.s32 $_scs_section_size  }
0x9a: {  	s4 =	simm.s32 $_size__tile_overlayer_lowered;
	s5 =	simm.s32 $_tile_overlayer_lowered  }
0x9b: {  	s22 =	simm.s32 $0x1BFF;
	s21 =	sshll.u32 s5, $0x1;
	s2 =	sadd.s32 s19, s18  }
0x9c: {  	s6 =	simm.s32 $0x0;
	s20 =	sshll.u32 s4, $0x1;
	s4 =	sadd.s32 s21, s2  }
0x9d: {  	[timem:s6], [sflag:s22] =	dma.local [hbm:s4], s20  }
0x9e: {  	_ =	swait.ge [sflag:s22], s20  }
0x9f: {  	s3 =	ssub.s32 $0x0, s20;
	[sflag:s22] =	ssyncset.done $0x0  }
0xa0: {  	[sflag:s22] =	ssyncadd.s32 s3;
	_ =	sdelay $0x1  }
0xa1: {  	s23 =	simm.s32 $0x1B8B  }
0xa2: {  	_ =	swait.ge [sflag:s23], $0x1  }
0xa3: {  	[sflag:s23] =	ssyncset.done $0x0  }
0xa4: {  	s25 =	simm.s32 $0x1B8E;
	s24 =	sld [smem:$0x3FFE];
	[sflag:s23] =	ssyncadd.s32 $0xFFFFFFFF  }
0xa5: {  	s26 =	simm.s32 $execute0_lowered;
	[smem:$0x3FD2] =	sst s25  }
0xa6: {  	s4 =	sshll.u32 s26, $0x1;
	_ =	strace $0x80000046;
	[dreg:$0x1] =	wrdreg $0xFFFFFFFF  }
0xa7: {  	s28 =	simm.s32 $_size_execute0_lowered;
	s2 =	sadd.s32 s2, s4;
	[dreg:$0x0] =	wrdreg $0x0  }
0xa8: {  	s4 =	sshll.u32 s28, $0x1;
	[dreg:$0x2] =	wrdreg s2  }
0xa9: {  	[dreg:$0x3] =	wrdreg s4  }
0xaa: {  	[dreg:$0x4] =	wrdreg $0xC0  }
0xab: {  	_ =	task [dreg:s6], $0x5FFFF  }
0xac: {  	[dreg:$0x1] =	wrdreg $0xFFFFFFFF  }
0xad: {  	[dreg:$0x0] =	wrdreg $0x60  }
0xae: {  	[dreg:$0x2] =	wrdreg s24  }
0xaf: {  	[dreg:$0x3] =	wrdreg $0xA  }
0xb0: {  	_ =	task.clear_ibuf [dreg:s6], $0x4FFFF;
	_ =	strace $0x90000046  }
0xb1: {  	s29 =	simm.s32 $0xA;
	_ =	strace $0x80000048  }
0xb2: {  	_ =	swait.ge [sflag:s29], $0x1  }
0xb3: {  	[sflag:s29] =	ssyncadd.s32 $0xFFFFFFFF  }
0xb4: {  	_ =	strace $0x90000048  }
0xb5: {  	_ =	sfence  }
0xb6: {  	s30 =	sld [smem:$0x0];
	_ =	sdelay $0x2  }
0xb7: {  	s31 =	sshll.u32 s1, $0xD;
	s1 =	sshrl.u32 s1, $0x2  }
0xb8: {  	s3 =	sand.u32 $0x4000, s31;
	s1 =	sadd.s32 s1, s30  }
0xb9: {  	s0 =	sor.u32 s3, s0;
	s1 =	sshll.u32 s1, $0x11  }
0xba: {  	s0 =	sor.u32 s1, s0  }
0xbb: {  	s0 =	sadd.s32 $0x8F2B, s0  }
0xbc: {  	[sflag:s0] =	ssyncadd.remote.s32 $0x1  }
0xbd: {  	_ =	sfence.sel $0xFFFF  }
0xbe: {  	[dreg:$0x0] =	wrdreg $0xFFFFFFFF;
	(pc) =	sbr.abs _section_cstart, $3  }
0xbf: {  	[dreg:$0x1] =	wrdreg $0xFFFFFFFF  }
0xc0: {  	_ =	task.clear_ibuf [dreg:s6], $0x2FFFF;
	_ =	strace $0x9FFFFFFF  }
0xc1: {  	(tm) =	ssettm $0x7FFFFFFF  }
tec
execute0_lowered:
.L_overlay_start_1:
0x0: {  	(tag) =	ssettag $0x1  }
0x1: {  	s4 =	rddreg [dreg:$0x0]  }
0x2: {  	s1 =	srdreg.scid;
	s0 =	rddreg [dreg:$0x1]  }
0x3: {  	s2 =	simm.s32 $0x0;
	s10 =	simm.s32 $0x5400;
	s11 =	simm.s32 $0x1  }
0x4: {  	s12 =	simm.s32 $0x0;
	s3 =	sand.u32 $0x1, s1;
	s1 =	stileid.u32  }
0x5: {  	[smem:$0x7FF] =	sst s2;
	s5 =	smul.u32 $0xA00000, s3;
	s6 =	sshll.u32 s3, $0x4  }
0x6: {  	s7 =	smul.u32 $0xA0000, s1;
	_ =	strace $0x80000047;
	s30 =	ssub.s32 $0x2, s3  }
0x7: {  	s3 =	sadd.s32 $0x9800, s4;
	s6 =	sor.u32 s1, s6;
	s8 =	sshrl.u32 s30, $0x1  }
0x8: {  	s6 =	smul.u32 $0x280, s6;
	s5 =	sadd.s32 s7, s5;
	s31 =	ssub.s32 s30, s8  }
0x9: {  	s7 =	simm.s32 $0x2;
	s8 =	simm.s32 $0x80;
	s5 =	sshrl.u32 s5, $0x3  }
0xa: {  	s6 =	sadd.s32 s6, s4;
	s9 =	sadd.s32 s5, s4;
	s5 =	smax.u32 s31, $0x1  }
0xb: {  	s4 =	sadd.s32 $0x4800, s6;
	s6 =	sadd.s32 $0x31800, s9;
	s9 =	simm.s32 $0x1400  }
.LBB2_1:
0xc: {  	[tilespmem:s2], [sflag:$0x2] =	stream.linear.gather [hbm4b:s4+s2], $0x1400, $0x38;
	[tilespmem:$0x9400] =	vst v63  }
0xd: {  	_ =	swait.ge [sflag:s7], $0x1400  }
0xe: {  	[sflag:s7] =	ssyncset.done $0x0  }
0xf: {  	s13 =	simm.s32 $0x0;
	[sflag:s7] =	ssyncadd.s32 $0xFFFFEC00  }
0x10: {  	[tilespmem:s9], [sflag:$0x1] =	stream.indirect.gather [hbm4b:s3+s8], $0x80, s13, s8, $0xb8;
	[tilespmem:$0x9400] =	vst v63  }
0x11: {  	_ = 	snop  }
0x12: {  	[tilespmem:s10], [sflag:$0x1] =	stream.indirect.gather [hbm4b:s3+s8], $0x80, s8, s8, $0xb8;
	[tilespmem:$0x9400] =	vst v63  }
0x13: {  	_ =	swait.ge [sflag:s11], $0x4000  }
0x14: {  	[sflag:s11] =	ssyncset.done $0x0  }
0x15: {  	[sflag:s11] =	ssyncadd.s32 $0xFFFFC000  }
0x16: {  	_ =	swait.ge [sflag:s11], $0x4000  }
0x17: {  	[sflag:s11] =	ssyncset.done $0x0  }
0x18: {  	s31 =	sadd.s32 $0x0, s6;
	[sflag:s11] =	ssyncadd.s32 $0xFFFFC000  }
0x19: {  	[hbm4b:s31+s2] =	stream.linear.scatter [tilespmem:s9], [sflag:$0x2], $0x8000, $0x38;
	[tilespmem:$0x9400] =	vst v63  }
0x1a: {  	s15 =	simm.s32 $0x2000;
	_ =	swait.ge [sflag:s7], $0x8000  }
0x1b: {  	s14 =	simm.s32 $0x180;
	s13 =	simm.s32 $0x1000;
	[sflag:s7] =	ssyncset.done $0x0  }
.LBB2_2:
0x1c: {  	p0 =	sne.s32 s15, $0x13000;
	s16 =	sadd.s32 $0xFFFFFF80, s14;
	[sflag:s7] =	ssyncadd.s32 $0xFFFF8000  }
0x1d: {  	[tilespmem:s9], [sflag:$0x1] =	stream.indirect.gather [hbm4b:s3+s8], $0x80, s16, s8, $0xb8;
	[tilespmem:$0x9400] =	vst v63  }
0x1e: {  	s16 =	smov.u32 s15;
	s15 =	sadd.s32 $0x1000, s15  }
0x1f: {  	[tilespmem:s10], [sflag:$0x1] =	stream.indirect.gather [hbm4b:s3+s8], $0x80, s14, s8, $0xb8;
	[tilespmem:$0x9400] =	vst v63  }
0x20: {  	_ =	swait.ge [sflag:s11], $0x4000  }
0x21: {  	[sflag:s11] =	ssyncset.done $0x0  }
0x22: {  	[sflag:s11] =	ssyncadd.s32 $0xFFFFC000  }
0x23: {  	_ =	swait.ge [sflag:s11], $0x4000  }
.Ltmp0:
0x24: {  	[sflag:s11] =	ssyncset.done $0x0;
	(pc) =	sbr.rel @p0 .LBB2_2-.Ltmp0, $4  }
0x25: {  	s17 =	sadd.s32 s13, s6;
	s13 =	smov.u32 s16;
	[sflag:s11] =	ssyncadd.s32 $0xFFFFC000  }
0x26: {  	[hbm4b:s17+s2] =	stream.linear.scatter [tilespmem:s9], [sflag:$0x2], $0x8000, $0x38;
	[tilespmem:$0x9400] =	vst v63  }
0x27: {  	_ =	swait.ge [sflag:s7], $0x8000  }
0x28: {  	s14 =	sadd.s32 $0x100, s14;
	[sflag:s7] =	ssyncset.done $0x0  }
0x29: {  	s15 =	sadd.s32 $0xFFFFFF80, s14;
	[sflag:s7] =	ssyncadd.s32 $0xFFFF8000  }
0x2a: {  	[tilespmem:s9], [sflag:$0x1] =	stream.indirect.gather [hbm4b:s3+s8], $0x80, s15, s8, $0xb8;
	[tilespmem:$0x9400] =	vst v63  }
0x2b: {  	_ = 	snop  }
0x2c: {  	[tilespmem:s10], [sflag:$0x1] =	stream.indirect.gather [hbm4b:s3+s8], $0x80, s14, s8, $0xb8;
	[tilespmem:$0x9400] =	vst v63  }
0x2d: {  	_ =	swait.ge [sflag:s11], $0x4000  }
0x2e: {  	[sflag:s11] =	ssyncset.done $0x0  }
0x2f: {  	[sflag:s11] =	ssyncadd.s32 $0xFFFFC000  }
0x30: {  	s12 =	sadd.s32 $0x1, s12;
	_ =	swait.ge [sflag:s11], $0x4000  }
0x31: {  	p0 =	sne.s32 s12, s5;
	[sflag:s11] =	ssyncset.done $0x0  }
.Ltmp1:
0x32: {  	s13 =	sadd.s32 s13, s6;
	[sflag:s11] =	ssyncadd.s32 $0xFFFFC000;
	(pc) =	sbr.rel @p0 .LBB2_1-.Ltmp1, $4  }
0x33: {  	[hbm4b:s13+s2] =	stream.linear.scatter [tilespmem:s9], [sflag:$0x2], $0x8000, $0x38;
	[tilespmem:$0x9400] =	vst v63  }
0x34: {  	_ =	swait.ge [sflag:s7], $0x8000  }
0x35: {  	[sflag:s7] =	ssyncset.done $0x0  }
0x36: {  	[sflag:s7] =	ssyncadd.s32 $0xFFFF8000  }
0x37: {  	_ =	sfence.sel $0x180000  }
0x38: {  	[bflag:$0x0] =	sbarrier.arrive $0xFFFF  }
0x39: {  	p0 =	sne.s32 s1, $0x0;
	_ =	strace $0x90000047  }
0x3a: {  	s0 =	sadd.s32 @!p0 $0x100000, s0;
	[bflag:$0x2] =	sbarrier.arrive $0xFFFF  }
0x3b: {  	[sflag:s0] =	ssyncadd.tile.s32 @!p0 $0x1;
	_ =	shalt  }
.Lfunc_end2:
_tile_overlayer_lowered:
.L_overlay_start_2:
0x3c: {  	(tag) =	ssettag $0x2  }
0x3d: {  	s0 =	rddreg [dreg:$0x0];
	s2 =	stileid.u32  }
0x3e: {  	s1 =	rddreg [dreg:$0x1];
	p0 =	sne.s32 s2, $0x0  }
0x3f: {  	s3 =	rddreg [dreg:$0x2];
	[bflag:$0x3] =	sbarrier.arrive $0xFFFF;
	s2 =	simm.s32 @!p0 $0x1C02  }
0x40: {  	[timem:s3], [sflag:s2] =	dma.local @!p0 [hbm:s0], s1  }
0x41: {  	s0 =	simm.s32 @!p0 $0x2  }
0x42: {  	_ =	swait.ge @!p0 [sflag:s0], s1  }
0x43: {  	s1 =	ssub.s32 @!p0 $0x0, s1;
	[sflag:s0] =	ssyncset.done @!p0 $0x0  }
0x44: {  	[sflag:s0] =	ssyncadd.s32 @!p0 s1  }
0x45: {  	[bflag:$0x3] =	sbarrier.arrive $0xFFFF  }
0x46: {  	_ =	shalt  }

// kernel: kernel.19.cloned.1.call-start
scs
__scs_entry_jumppad:
0x0: {  	(pc) =	sbr.rel $0x88, $3  }
0x1: {  	(tag) =	ssettag $0x0;
	lr =	simm.s32 $0x1  }
0x2: {  	[smem:$0x3F8F] =	sst lr;
	_ =	strace $0xD0000000  }
0x3: {  	_ = 	snop  }
0x4: {  	_ = 	snop  }
0x5: {  	_ = 	snop  }
0x6: {  	_ = 	snop  }
0x7: {  	_ = 	snop  }
__scs_overlays_trampoline_lowered:
0x8: {  	[smem:$0x3F9E] =	sst s0  }
0x9: {  	[smem:$0x3F9F] =	sst s1  }
0xa: {  	[smem:$0x3FA0] =	sst s2  }
0xb: {  	[smem:$0x3FA1] =	sst s3  }
0xc: {  	[smem:$0x3FA2] =	sst s4  }
0xd: {  	[smem:$0x3FA3] =	sst s5  }
0xe: {  	[smem:$0x3FA4] =	sst s6  }
0xf: {  	[smem:$0x3FA5] =	sst s7  }
0x10: {  	[smem:$0x3FA6] =	sst s8  }
0x11: {  	[smem:$0x3FA7] =	sst s9;
	s0 =	simm.s32 @!p0 $0x0  }
0x12: {  	s1 =	sld [smem:$0x3F8D];
	s0 =	simm.s32 @p0 $0x1  }
0x13: {  	[smem:$0x3FA8] =	sst s0;
	s0 =	simm.s32 @!p1 $0x0  }
0x14: {  	s2 =	sld [smem:$0x3F8C];
	s0 =	simm.s32 @p1 $0x1  }
0x15: {  	[smem:$0x3FA9] =	sst s0;
	s0 =	simm.s32 @!p2 $0x0  }
0x16: {  	s3 =	sld [smem:$0x3FDB];
	s0 =	simm.s32 @p2 $0x1  }
0x17: {  	s4 =	simm.s32 $0x1BF5;
	[smem:$0x3FAB] =	sst s0  }
0x18: {  	s0 =	sld [smem:$0x3F8E];
	_ =	swait.ge [sflag:s4], $0x0  }
0x19: {  	s7 =	sld [smem:$0x3F8F]  }
0x1a: {  	s8 =	sadd.s32 $0xFFFFE003, lr  }
0x1b: {  	s9 =	sadd.s32 $0xFFFFFEF7, lr;
	s5 =	simm.s32 $0xFFFFFFFF;
	p2 =	slt.u32 s8, $0xFFFFF086  }
0x1c: {  	p1 =	slt.u32 s9, $0xF7A;
	s5 =	simm.s32 @!p2 $0x0  }
0x1d: {  	s5 =	simm.s32 @p1 $0x1;
	p0 =	seq.s32 s7, s2  }
0x1e: {  	s7 =	smul.u32 @!p0 $0xF7A, s2;
	p2 =	seq.s32 @!p0 s5, $0x0  }
0x1f: {  	s9 =	smul.u32 $0xF7A, s1;
	s8 =	simm.s32 @!p0 $0x1BF5;
	p2 =	por !p2, p0  }
0x20: {  	[sflag:s8] =	ssyncset.s32 @!p0 $0xFFFFF086;
	s6 =	sadd.s32 @!p0 s3, s7;
	s7 =	simm.s32 @!p0 $0x108  }
0x21: {  	s3 =	sadd.s32 s3, s9;
	s6 =	sadd.s32 @!p0 $0x88, s6;
	s7 =	simm.s32 @p2 $0x1082  }
0x22: {  	[simem:s7], [sflag:s8] =	dma.local @!p0 [hbm:s6], $0xF7A  }
0x23: {  	s9 =	sor.u32 $0xD0000000, s2;
	s6 =	simm.s32 $0x108;
	_ =	swait.ge @!p0 [sflag:s8], $0x0  }
0x24: {  	s3 =	sadd.s32 $0x88, s3;
	s6 =	simm.s32 @!p1 $0x1082;
	[sflag:s4] =	ssyncset.s32 $0xFFFFF086  }
0x25: {  	[simem:s6], [sflag:s4] =	dma.local [hbm:s3], $0xF7A  }
0x26: {  	[smem:$0x3F8F] =	sst s1;
	(tag) =	ssettag s2;
	_ =	strace s9  }
0x27: {  	s1 =	sld [smem:$0x3F9F]  }
0x28: {  	s2 =	sld [smem:$0x3FA0]  }
0x29: {  	s4 =	sld [smem:$0x3FA2]  }
0x2a: {  	p0 =	seq.s32 s5, $0x0;
	s5 =	sld [smem:$0x3FA3]  }
0x2b: {  	s6 =	sld [smem:$0x3FA4]  }
0x2c: {  	s7 =	sld [smem:$0x3FA5]  }
0x2d: {  	s3 =	simm.s32 $0x108;
	s8 =	sld [smem:$0x3FA6]  }
0x2e: {  	s3 =	simm.s32 @!p0 $0x1082;
	s9 =	sld [smem:$0x3FA7]  }
0x2f: {  	lr =	sadd.s32 s0, s3;
	s0 =	sld [smem:$0x3F9E]  }
0x30: {  	s3 =	sld [smem:$0x3FA1]  }
0x31: {  	[smem:$0x3FAA] =	sst s10  }
0x32: {  	s10 =	sld [smem:$0x3FA8];
	_ =	sdelay $0x3  }
0x33: {  	p0 =	seq.s32 s10, $0x1;
	s10 =	sld [smem:$0x3FAA];
	_ =	sdelay $0x3  }
0x34: {  	[smem:$0x3FAA] =	sst s10  }
0x35: {  	s10 =	sld [smem:$0x3FA9];
	_ =	sdelay $0x3  }
0x36: {  	p1 =	seq.s32 s10, $0x1;
	s10 =	sld [smem:$0x3FAA];
	_ =	sdelay $0x3  }
0x37: {  	[smem:$0x3FAA] =	sst s10  }
0x38: {  	s10 =	sld [smem:$0x3FAB]  }
0x39: {  	_ = 	snop;
	(pc) =	sbr.ind lr, $3  }
0x3a: {  	_ = 	snop  }
0x3b: {  	_ = 	snop  }
0x3c: {  	p2 =	seq.s32 s10, $0x1;
	s10 =	sld [smem:$0x3FAA]  }
0x3d: {  	_ =	shalt  }
0x3e: {  	_ =	shalt  }
0x3f: {  	_ =	shalt  }
0x40: {  	_ =	shalt  }
0x41: {  	_ =	shalt  }
0x42: {  	_ =	shalt  }
0x43: {  	_ =	shalt  }
0x44: {  	_ =	shalt  }
0x45: {  	_ =	shalt  }
0x46: {  	_ =	shalt  }
0x47: {  	_ =	shalt  }
0x48: {  	_ =	shalt  }
0x49: {  	_ =	shalt  }
0x4a: {  	_ =	shalt  }
0x4b: {  	_ =	shalt  }
0x4c: {  	_ =	shalt  }
0x4d: {  	_ =	shalt  }
0x4e: {  	_ =	shalt  }
0x4f: {  	_ =	shalt  }
0x50: {  	_ =	shalt  }
0x51: {  	_ =	shalt  }
0x52: {  	_ =	shalt  }
0x53: {  	_ =	shalt  }
0x54: {  	_ =	shalt  }
0x55: {  	_ =	shalt  }
0x56: {  	_ =	shalt  }
0x57: {  	_ =	shalt  }
0x58: {  	_ =	shalt  }
0x59: {  	_ =	shalt  }
0x5a: {  	_ =	shalt  }
0x5b: {  	_ =	shalt  }
0x5c: {  	_ =	shalt  }
0x5d: {  	_ =	shalt  }
0x5e: {  	_ =	shalt  }
0x5f: {  	_ =	shalt  }
0x60: {  	_ =	shalt  }
0x61: {  	_ =	shalt  }
0x62: {  	_ =	shalt  }
0x63: {  	_ =	shalt  }
0x64: {  	_ =	shalt  }
0x65: {  	_ =	shalt  }
0x66: {  	_ =	shalt  }
0x67: {  	_ =	shalt  }
0x68: {  	_ =	shalt  }
0x69: {  	_ =	shalt  }
0x6a: {  	_ =	shalt  }
0x6b: {  	_ =	shalt  }
0x6c: {  	_ =	shalt  }
0x6d: {  	_ =	shalt  }
0x6e: {  	_ =	shalt  }
0x6f: {  	_ =	shalt  }
0x70: {  	_ =	shalt  }
0x71: {  	_ =	shalt  }
0x72: {  	_ =	shalt  }
0x73: {  	_ =	shalt  }
0x74: {  	_ =	shalt  }
0x75: {  	_ =	shalt  }
0x76: {  	_ =	shalt  }
0x77: {  	_ =	shalt  }
0x78: {  	_ =	shalt  }
0x79: {  	_ =	shalt  }
0x7a: {  	_ =	shalt  }
0x7b: {  	_ =	shalt  }
0x7c: {  	_ =	shalt  }
0x7d: {  	_ =	shalt  }
0x7e: {  	_ =	shalt  }
0x7f: {  	_ =	shalt  }
0x80: {  	_ =	shalt  }
0x81: {  	_ =	shalt  }
0x82: {  	_ =	shalt  }
0x83: {  	_ =	shalt  }
0x84: {  	_ =	shalt  }
0x85: {  	_ =	shalt  }
0x86: {  	_ =	shalt  }
0x87: {  	_ =	shalt  }
.Lfunc_end0:
.L_simem_size_0:
called_computation.2_lowered:
.L_overlay_start_0:
0x88: {  	s2 =	sld [smem:$0x3FD9]  }
0x89: {  	s3 =	sld [smem:$0x3FFE];
	_ =	sdelay $0x1  }
0x8a: {  	s1 =	srdreg.scid  }
0x8b: {  	s0 =	sand.u32 $0x1, s1  }
0x8c: {  	s17 =	sshll.u32 s0, $0xA;
	s2 =	sadd.s32 s3, s2  }
0x8d: {  	s2 =	sadd.s32 s2, s17  }
0x8e: {  	[smem:$0x3FB6] =	sst s2  }
0x8f: {  	_ = 	snop  }
0x90: {  	(tm) =	ssettm $0x1  }
0x91: {  	s18 =	sld [smem:$0x3FFB];
	_ =	sdelay $0x3  }
0x92: {  	_ =	strace s18  }
0x93: {  	s2 =	sld [smem:$0x3FFC];
	_ =	sdelay $0x3  }
0x94: {  	_ =	strace s2  }
0x95: {  	s2 =	sld [smem:$0x3FFD];
	_ =	sdelay $0x3  }
0x96: {  	_ =	strace s2  }
0x97: {  	_ =	strace $0x8FFFFFFF  }
0x98: {  	s19 =	sld [smem:$0x3FDB];
	_ =	sdelay $0x1  }
0x99: {  	s20 =	simm.s32 $_scs_section_size  }
0x9a: {  	s4 =	simm.s32 $_size__tile_overlayer_lowered;
	s5 =	simm.s32 $_tile_overlayer_lowered  }
0x9b: {  	s6 =	simm.s32 $0x1BFF;
	s21 =	sshll.u32 s5, $0x1;
	s3 =	sadd.s32 s20, s19  }
0x9c: {  	s22 =	simm.s32 $0x0;
	s4 =	sshll.u32 s4, $0x1;
	s5 =	sadd.s32 s21, s3  }
0x9d: {  	[timem:s22], [sflag:s6] =	dma.local [hbm:s5], s4  }
0x9e: {  	_ =	swait.ge [sflag:s6], s4  }
0x9f: {  	s4 =	ssub.s32 $0x0, s4;
	[sflag:s6] =	ssyncset.done $0x0  }
0xa0: {  	[sflag:s6] =	ssyncadd.s32 s4;
	_ =	sdelay $0x1  }
0xa1: {  	s23 =	simm.s32 $0x1B8B  }
0xa2: {  	_ =	swait.ge [sflag:s23], $0x1  }
0xa3: {  	[sflag:s23] =	ssyncset.done $0x0  }
0xa4: {  	[sflag:s23] =	ssyncadd.s32 $0xFFFFFFFF  }
0xa5: {  	s4 =	sld [smem:$0x0]  }
0xa6: {  	s5 =	sand.u32 $0xFFFFFFFE, s1  }
0xa7: {  	p0 =	sne.s32 s1, s5  }
0xa8: {  	s5 =	sshll.u32 @p0 s5, $0xE  }
0xa9: {  	s5 =	sadd.s32 @p0 $0x11B8D, s5;
	s6 =	sshll.u32 @p0 s4, $0x11  }
0xaa: {  	s5 =	sor.u32 @p0 s6, s5  }
0xab: {  	[sflag:s5] =	ssyncadd.remote.s32 @p0 $0x1;
	_ =	sdelay $0x1  }
0xac: {  	s5 =	simm.s32 @p0 $0x1B8D  }
0xad: {  	_ =	swait.eq @p0 [sflag:s5], $0x1  }
0xae: {  	[sflag:s5] =	ssyncadd.s32 @p0 $0xFFFFFFFF  }
0xaf: {  	s6 =	sshll.u32 @!p0 s1, $0xE  }
0xb0: {  	s6 =	sor.u32 @!p0 $0x4000, s6;
	s5 =	simm.s32 @!p0 $0x1B8D  }
0xb1: {  	s4 =	sshll.u32 @!p0 s4, $0x11;
	s6 =	sadd.s32 @!p0 $0x11B8D, s6;
	_ =	swait.eq @!p0 [sflag:s5], $0x1  }
0xb2: {  	s4 =	sor.u32 @!p0 s4, s6;
	[sflag:s5] =	ssyncadd.s32 @!p0 $0xFFFFFFFF  }
0xb3: {  	s25 =	simm.s32 $0x1B8E;
	s24 =	sld [smem:$0x3FFE];
	[sflag:s4] =	ssyncadd.remote.s32 @!p0 $0x1  }
0xb4: {  	s26 =	simm.s32 $execute0_lowered;
	[smem:$0x3FD2] =	sst s25  }
0xb5: {  	s5 =	sshll.u32 s26, $0x1;
	_ =	strace $0x8000004C;
	[dreg:$0x1] =	wrdreg $0xFFFFFFFF  }
0xb6: {  	s28 =	simm.s32 $_size_execute0_lowered;
	s3 =	sadd.s32 s3, s5;
	[dreg:$0x0] =	wrdreg $0x0  }
0xb7: {  	s5 =	sshll.u32 s28, $0x1;
	[dreg:$0x2] =	wrdreg s3  }
0xb8: {  	[dreg:$0x3] =	wrdreg s5  }
0xb9: {  	[dreg:$0x4] =	wrdreg $0xC0  }
0xba: {  	_ =	task [dreg:s22], $0x5FFFF  }
0xbb: {  	[dreg:$0x1] =	wrdreg $0xFFFFFFFF  }
0xbc: {  	[dreg:$0x0] =	wrdreg $0x60  }
0xbd: {  	[dreg:$0x2] =	wrdreg s24  }
0xbe: {  	[dreg:$0x3] =	wrdreg $0x94000  }
0xbf: {  	[dreg:$0x4] =	wrdreg $0xA  }
0xc0: {  	_ =	task.clear_ibuf [dreg:s22], $0x5FFFF;
	_ =	strace $0x9000004C  }
0xc1: {  	s29 =	simm.s32 $0xA;
	_ =	strace $0x8000004E  }
0xc2: {  	_ =	swait.ge [sflag:s29], $0x1  }
0xc3: {  	[sflag:s29] =	ssyncadd.s32 $0xFFFFFFFF  }
0xc4: {  	_ =	strace $0x9000004E  }
0xc5: {  	_ =	sfence  }
0xc6: {  	s30 =	sld [smem:$0x0];
	_ =	sdelay $0x2  }
0xc7: {  	s31 =	sshll.u32 s1, $0xD;
	s1 =	sshrl.u32 s1, $0x2  }
0xc8: {  	s4 =	sand.u32 $0x4000, s31;
	s1 =	sadd.s32 s1, s30  }
0xc9: {  	s0 =	sor.u32 s4, s0;
	s1 =	sshll.u32 s1, $0x11  }
0xca: {  	s0 =	sor.u32 s1, s0  }
0xcb: {  	s0 =	sadd.s32 $0x8F2B, s0  }
0xcc: {  	[sflag:s0] =	ssyncadd.remote.s32 $0x1  }
0xcd: {  	_ =	sfence.sel $0xFFFF  }
0xce: {  	[dreg:$0x0] =	wrdreg $0xFFFFFFFF;
	(pc) =	sbr.abs _section_cstart, $3  }
0xcf: {  	[dreg:$0x1] =	wrdreg $0xFFFFFFFF  }
0xd0: {  	_ =	task.clear_ibuf [dreg:s22], $0x2FFFF;
	_ =	strace $0x9FFFFFFF  }
0xd1: {  	(tm) =	ssettm $0x7FFFFFFF  }
tec
execute0_lowered:
.L_overlay_start_1:
0x0: {  	(tag) =	ssettag $0x1  }
0x1: {  	s0 =	srdreg.scid;
	s4 =	rddreg [dreg:$0x0]  }
0x2: {  	s2 =	rddreg [dreg:$0x1];
	s5 =	sand.u32 $0x1, s0  }
0x3: {  	s0 =	stileid.u32;
	s6 =	smul.u32 $0xA00000, s5  }
0x4: {  	s3 =	simm.s32 $0x0;
	s13 =	simm.s32 $0x80;
	s7 =	smul.u32 $0xA0000, s0  }
0x5: {  	s14 =	simm.s32 $0x5400;
	s15 =	simm.s32 $0x1;
	s25 =	smul.u32 $0x14000, s0  }
0x6: {  	s16 =	simm.s32 $0x0;
	[smem:$0x7FF] =	sst s3;
	s9 =	smul.u32 $0x140000, s5  }
0x7: {  	s1 =	sshll.u32 s5, $0x4;
	s5 =	ssub.s32 $0x2, s5;
	s29 =	smul.u32 $0x50000, s0  }
0x8: {  	s31 =	sshll.u32 s0, $0x6;
	s8 =	sor.u32 s0, s1;
	s1 =	rddreg [dreg:$0x2]  }
0x9: {  	_ =	strace $0x8000004D;
	s11 =	sshrl.u32 s5, $0x1;
	s8 =	smul.u32 $0x280, s8  }
0xa: {  	s6 =	sadd.s32 s7, s6;
	s28 =	sshrl.u32 s25, $0x3;
	s7 =	sadd.s32 s25, s9  }
0xb: {  	s11 =	ssub.s32 s5, s11;
	s30 =	sshrl.u32 s29, $0x2;
	s9 =	simm.s32 $0x2  }
0xc: {  	s6 =	sshrl.u32 s6, $0x3;
	s7 =	sshrl.u32 s7, $0x3;
	s12 =	sadd.s32 s30, s2  }
0xd: {  	s10 =	sadd.s32 s6, s4;
	s26 =	sadd.s32 s8, s4;
	s8 =	sadd.s32 s28, s4  }
0xe: {  	s7 =	sadd.s32 s7, s4;
	s4 =	sadd.s32 $0x2B1800, s26;
	s5 =	sadd.s32 $0x2B6800, s8  }
0xf: {  	s6 =	sadd.s32 $0x31800, s7;
	s7 =	smax.u32 s11, $0x1;
	s8 =	sadd.s32 $0x471800, s10  }
0x10: {  	s10 =	sor.u32 $0x1C02, s31;
	s11 =	sshrl.u32 s12, $0x3;
	s12 =	simm.s32 $0x1400  }
.LBB2_1:
0x11: {  	[tilespmem:s3], [sflag:$0x2] =	stream.linear.gather [hbm4b:s4+s3], $0x1400, $0x38;
	[tilespmem:$0xE400] =	vst v63  }
0x12: {  	_ =	swait.ge [sflag:s9], $0x1400  }
0x13: {  	[sflag:s9] =	ssyncset.done $0x0  }
0x14: {  	[sflag:s9] =	ssyncadd.s32 $0xFFFFEC00  }
0x15: {  	[spmem:s11], [sflag:s10] =	dma.local [hbm:s5], $0x2800  }
0x16: {  	_ =	swait.ge [sflag:s9], $0x2800  }
0x17: {  	[sflag:s9] =	ssyncset.done $0x0  }
0x18: {  	[sflag:s9] =	ssyncadd.s32 $0xFFFFD800  }
0x19: {  	s17 =	sadd.s32 $0x0, s8;
	[bflag:$0x0] =	sbarrier.arrive $0xFFFF  }
0x1a: {  	[tilespmem:s12], [sflag:$0x2] =	stream.linear.gather [hbm4b:s17+s3], $0x8000, $0x38;
	[tilespmem:$0xE400] =	vst v63  }
0x1b: {  	_ =	swait.ge [sflag:s9], $0x8000  }
0x1c: {  	[sflag:s9] =	ssyncset.done $0x0  }
0x1d: {  	s31 =	simm.s32 $0x0;
	[sflag:s9] =	ssyncadd.s32 $0xFFFF8000  }
0x1e: {  	[spmem:s2] =	stream.indirect.scatter.add.f32 [tilespmem:s12], [sflag:$0x1], $0x20, s31, s13, $0xb8;
	[tilespmem:$0xE400] =	vst v63  }
0x1f: {  	_ = 	snop  }
0x20: {  	[spmem:s2] =	stream.indirect.scatter.add.f32 [tilespmem:s14], [sflag:$0x1], $0x20, s13, s13, $0xb8;
	[tilespmem:$0xE400] =	vst v63  }
0x21: {  	_ =	swait.ge [sflag:s15], $0x1000  }
0x22: {  	[sflag:s15] =	ssyncset.done $0x0  }
0x23: {  	[sflag:s15] =	ssyncadd.s32 $0xFFFFF000  }
0x24: {  	s18 =	simm.s32 $0x1000;
	_ =	swait.ge [sflag:s15], $0x1000  }
0x25: {  	s19 =	simm.s32 $0x2000;
	s17 =	simm.s32 $0x180;
	[sflag:s15] =	ssyncset.done $0x0  }
.LBB2_2:
0x26: {  	s20 =	sadd.s32 s18, s8  }
0x27: {  	[sflag:s15] =	ssyncadd.s32 $0xFFFFF000;
	s18 =	smov.u32 s19;
	s21 =	sadd.s32 $0x1000, s19  }
0x28: {  	[tilespmem:s12], [sflag:$0x2] =	stream.linear.gather [hbm4b:s20+s3], $0x8000, $0x38;
	[tilespmem:$0xE400] =	vst v63  }
0x29: {  	p0 =	sne.s32 s19, $0x13000;
	_ =	swait.ge [sflag:s9], $0x8000  }
0x2a: {  	[sflag:s9] =	ssyncset.done $0x0  }
0x2b: {  	s19 =	sadd.s32 $0xFFFFFF80, s17;
	[sflag:s9] =	ssyncadd.s32 $0xFFFF8000  }
0x2c: {  	[spmem:s2] =	stream.indirect.scatter.add.f32 [tilespmem:s12], [sflag:$0x1], $0x20, s19, s13, $0xb8;
	[tilespmem:$0xE400] =	vst v63  }
0x2d: {  	_ = 	snop  }
0x2e: {  	[spmem:s2] =	stream.indirect.scatter.add.f32 [tilespmem:s14], [sflag:$0x1], $0x20, s17, s13, $0xb8;
	[tilespmem:$0xE400] =	vst v63  }
.Ltmp0:
0x2f: {  	_ =	swait.ge [sflag:s15], $0x1000;
	(pc) =	sbr.rel @p0 .LBB2_2-.Ltmp0, $4  }
0x30: {  	[sflag:s15] =	ssyncset.done $0x0  }
0x31: {  	[sflag:s15] =	ssyncadd.s32 $0xFFFFF000  }
0x32: {  	_ =	swait.ge [sflag:s15], $0x1000  }
0x33: {  	s19 =	smov.u32 s21;
	s17 =	sadd.s32 $0x100, s17;
	[sflag:s15] =	ssyncset.done $0x0  }
0x34: {  	s18 =	sadd.s32 s18, s8;
	[sflag:s15] =	ssyncadd.s32 $0xFFFFF000  }
0x35: {  	[tilespmem:s12], [sflag:$0x2] =	stream.linear.gather [hbm4b:s18+s3], $0x8000, $0x38;
	[tilespmem:$0xE400] =	vst v63  }
0x36: {  	_ =	swait.ge [sflag:s9], $0x8000  }
0x37: {  	[sflag:s9] =	ssyncset.done $0x0  }
0x38: {  	s31 =	sadd.s32 $0xFFFFFF80, s17;
	[sflag:s9] =	ssyncadd.s32 $0xFFFF8000  }
0x39: {  	[spmem:s2] =	stream.indirect.scatter.add.f32 [tilespmem:s12], [sflag:$0x1], $0x20, s31, s13, $0xb8;
	[tilespmem:$0xE400] =	vst v63  }
0x3a: {  	_ = 	snop  }
0x3b: {  	[spmem:s2] =	stream.indirect.scatter.add.f32 [tilespmem:s14], [sflag:$0x1], $0x20, s17, s13, $0xb8;
	[tilespmem:$0xE400] =	vst v63  }
0x3c: {  	_ =	swait.ge [sflag:s15], $0x1000  }
0x3d: {  	[sflag:s15] =	ssyncset.done $0x0  }
0x3e: {  	[sflag:s15] =	ssyncadd.s32 $0xFFFFF000  }
0x3f: {  	_ =	swait.ge [sflag:s15], $0x1000  }
0x40: {  	s16 =	sadd.s32 $0x1, s16;
	[sflag:s15] =	ssyncset.done $0x0  }
0x41: {  	p0 =	sne.s32 s16, s7;
	[sflag:s15] =	ssyncadd.s32 $0xFFFFF000  }
.Ltmp1:
0x42: {  	[bflag:$0x0] =	sbarrier.arrive $0xFFFF;
	(pc) =	sbr.rel @p0 .LBB2_1-.Ltmp1, $4  }
0x43: {  	[hbm:s6], [sflag:s10] =	dma.local [spmem:s11], $0x2800  }
0x44: {  	_ =	swait.ge [sflag:s9], $0x2800  }
0x45: {  	[sflag:s9] =	ssyncset.done $0x0  }
0x46: {  	[sflag:s9] =	ssyncadd.s32 $0xFFFFD800  }
0x47: {  	_ =	sfence.sel $0x180000  }
0x48: {  	[bflag:$0x0] =	sbarrier.arrive $0xFFFF  }
0x49: {  	p0 =	sne.s32 s0, $0x0;
	_ =	strace $0x9000004D  }
0x4a: {  	s0 =	sadd.s32 @!p0 $0x100000, s1;
	[bflag:$0x2] =	sbarrier.arrive $0xFFFF  }
0x4b: {  	[sflag:s0] =	ssyncadd.tile.s32 @!p0 $0x1;
	_ =	shalt  }
.Lfunc_end2:
_tile_overlayer_lowered:
.L_overlay_start_2:
0x4c: {  	(tag) =	ssettag $0x2  }
0x4d: {  	s0 =	rddreg [dreg:$0x0];
	s2 =	stileid.u32  }
0x4e: {  	s1 =	rddreg [dreg:$0x1];
	p0 =	sne.s32 s2, $0x0  }
0x4f: {  	s3 =	rddreg [dreg:$0x2];
	[bflag:$0x3] =	sbarrier.arrive $0xFFFF;
	s2 =	simm.s32 @!p0 $0x1C02  }
0x50: {  	[timem:s3], [sflag:s2] =	dma.local @!p0 [hbm:s0], s1  }
0x51: {  	s0 =	simm.s32 @!p0 $0x2  }
0x52: {  	_ =	swait.ge @!p0 [sflag:s0], s1  }
0x53: {  	s1 =	ssub.s32 @!p0 $0x0, s1;
	[sflag:s0] =	ssyncset.done @!p0 $0x0  }
0x54: {  	[sflag:s0] =	ssyncadd.s32 @!p0 s1  }
0x55: {  	[bflag:$0x3] =	sbarrier.arrive $0xFFFF  }
0x56: {  	_ =	shalt  }

// kernel: kernel.22.cloned.1.call-start
scs
__scs_entry_jumppad:
0x0: {  	(pc) =	sbr.rel $0x88, $3  }
0x1: {  	(tag) =	ssettag $0x0;
	lr =	simm.s32 $0x1  }
0x2: {  	[smem:$0x3F8F] =	sst lr;
	_ =	strace $0xD0000000  }
0x3: {  	_ = 	snop  }
0x4: {  	_ = 	snop  }
0x5: {  	_ = 	snop  }
0x6: {  	_ = 	snop  }
0x7: {  	_ = 	snop  }
__scs_overlays_trampoline_lowered:
0x8: {  	[smem:$0x3F9E] =	sst s0  }
0x9: {  	[smem:$0x3F9F] =	sst s1  }
0xa: {  	[smem:$0x3FA0] =	sst s2  }
0xb: {  	[smem:$0x3FA1] =	sst s3  }
0xc: {  	[smem:$0x3FA2] =	sst s4  }
0xd: {  	[smem:$0x3FA3] =	sst s5  }
0xe: {  	[smem:$0x3FA4] =	sst s6  }
0xf: {  	[smem:$0x3FA5] =	sst s7  }
0x10: {  	[smem:$0x3FA6] =	sst s8  }
0x11: {  	[smem:$0x3FA7] =	sst s9;
	s0 =	simm.s32 @!p0 $0x0  }
0x12: {  	s1 =	sld [smem:$0x3F8D];
	s0 =	simm.s32 @p0 $0x1  }
0x13: {  	[smem:$0x3FA8] =	sst s0;
	s0 =	simm.s32 @!p1 $0x0  }
0x14: {  	s2 =	sld [smem:$0x3F8C];
	s0 =	simm.s32 @p1 $0x1  }
0x15: {  	[smem:$0x3FA9] =	sst s0;
	s0 =	simm.s32 @!p2 $0x0  }
0x16: {  	s3 =	sld [smem:$0x3FDB];
	s0 =	simm.s32 @p2 $0x1  }
0x17: {  	s4 =	simm.s32 $0x1BF5;
	[smem:$0x3FAB] =	sst s0  }
0x18: {  	s0 =	sld [smem:$0x3F8E];
	_ =	swait.ge [sflag:s4], $0x0  }
0x19: {  	s7 =	sld [smem:$0x3F8F]  }
0x1a: {  	s8 =	sadd.s32 $0xFFFFE003, lr  }
0x1b: {  	s9 =	sadd.s32 $0xFFFFFEF7, lr;
	s5 =	simm.s32 $0xFFFFFFFF;
	p2 =	slt.u32 s8, $0xFFFFF086  }
0x1c: {  	p1 =	slt.u32 s9, $0xF7A;
	s5 =	simm.s32 @!p2 $0x0  }
0x1d: {  	s5 =	simm.s32 @p1 $0x1;
	p0 =	seq.s32 s7, s2  }
0x1e: {  	s7 =	smul.u32 @!p0 $0xF7A, s2;
	p2 =	seq.s32 @!p0 s5, $0x0  }
0x1f: {  	s9 =	smul.u32 $0xF7A, s1;
	s8 =	simm.s32 @!p0 $0x1BF5;
	p2 =	por !p2, p0  }
0x20: {  	[sflag:s8] =	ssyncset.s32 @!p0 $0xFFFFF086;
	s6 =	sadd.s32 @!p0 s3, s7;
	s7 =	simm.s32 @!p0 $0x108  }
0x21: {  	s3 =	sadd.s32 s3, s9;
	s6 =	sadd.s32 @!p0 $0x88, s6;
	s7 =	simm.s32 @p2 $0x1082  }
0x22: {  	[simem:s7], [sflag:s8] =	dma.local @!p0 [hbm:s6], $0xF7A  }
0x23: {  	s9 =	sor.u32 $0xD0000000, s2;
	s6 =	simm.s32 $0x108;
	_ =	swait.ge @!p0 [sflag:s8], $0x0  }
0x24: {  	s3 =	sadd.s32 $0x88, s3;
	s6 =	simm.s32 @!p1 $0x1082;
	[sflag:s4] =	ssyncset.s32 $0xFFFFF086  }
0x25: {  	[simem:s6], [sflag:s4] =	dma.local [hbm:s3], $0xF7A  }
0x26: {  	[smem:$0x3F8F] =	sst s1;
	(tag) =	ssettag s2;
	_ =	strace s9  }
0x27: {  	s1 =	sld [smem:$0x3F9F]  }
0x28: {  	s2 =	sld [smem:$0x3FA0]  }
0x29: {  	s4 =	sld [smem:$0x3FA2]  }
0x2a: {  	p0 =	seq.s32 s5, $0x0;
	s5 =	sld [smem:$0x3FA3]  }
0x2b: {  	s6 =	sld [smem:$0x3FA4]  }
0x2c: {  	s7 =	sld [smem:$0x3FA5]  }
0x2d: {  	s3 =	simm.s32 $0x108;
	s8 =	sld [smem:$0x3FA6]  }
0x2e: {  	s3 =	simm.s32 @!p0 $0x1082;
	s9 =	sld [smem:$0x3FA7]  }
0x2f: {  	lr =	sadd.s32 s0, s3;
	s0 =	sld [smem:$0x3F9E]  }
0x30: {  	s3 =	sld [smem:$0x3FA1]  }
0x31: {  	[smem:$0x3FAA] =	sst s10  }
0x32: {  	s10 =	sld [smem:$0x3FA8];
	_ =	sdelay $0x3  }
0x33: {  	p0 =	seq.s32 s10, $0x1;
	s10 =	sld [smem:$0x3FAA];
	_ =	sdelay $0x3  }
0x34: {  	[smem:$0x3FAA] =	sst s10  }
0x35: {  	s10 =	sld [smem:$0x3FA9];
	_ =	sdelay $0x3  }
0x36: {  	p1 =	seq.s32 s10, $0x1;
	s10 =	sld [smem:$0x3FAA];
	_ =	sdelay $0x3  }
0x37: {  	[smem:$0x3FAA] =	sst s10  }
0x38: {  	s10 =	sld [smem:$0x3FAB]  }
0x39: {  	_ = 	snop;
	(pc) =	sbr.ind lr, $3  }
0x3a: {  	_ = 	snop  }
0x3b: {  	_ = 	snop  }
0x3c: {  	p2 =	seq.s32 s10, $0x1;
	s10 =	sld [smem:$0x3FAA]  }
0x3d: {  	_ =	shalt  }
0x3e: {  	_ =	shalt  }
0x3f: {  	_ =	shalt  }
0x40: {  	_ =	shalt  }
0x41: {  	_ =	shalt  }
0x42: {  	_ =	shalt  }
0x43: {  	_ =	shalt  }
0x44: {  	_ =	shalt  }
0x45: {  	_ =	shalt  }
0x46: {  	_ =	shalt  }
0x47: {  	_ =	shalt  }
0x48: {  	_ =	shalt  }
0x49: {  	_ =	shalt  }
0x4a: {  	_ =	shalt  }
0x4b: {  	_ =	shalt  }
0x4c: {  	_ =	shalt  }
0x4d: {  	_ =	shalt  }
0x4e: {  	_ =	shalt  }
0x4f: {  	_ =	shalt  }
0x50: {  	_ =	shalt  }
0x51: {  	_ =	shalt  }
0x52: {  	_ =	shalt  }
0x53: {  	_ =	shalt  }
0x54: {  	_ =	shalt  }
0x55: {  	_ =	shalt  }
0x56: {  	_ =	shalt  }
0x57: {  	_ =	shalt  }
0x58: {  	_ =	shalt  }
0x59: {  	_ =	shalt  }
0x5a: {  	_ =	shalt  }
0x5b: {  	_ =	shalt  }
0x5c: {  	_ =	shalt  }
0x5d: {  	_ =	shalt  }
0x5e: {  	_ =	shalt  }
0x5f: {  	_ =	shalt  }
0x60: {  	_ =	shalt  }
0x61: {  	_ =	shalt  }
0x62: {  	_ =	shalt  }
0x63: {  	_ =	shalt  }
0x64: {  	_ =	shalt  }
0x65: {  	_ =	shalt  }
0x66: {  	_ =	shalt  }
0x67: {  	_ =	shalt  }
0x68: {  	_ =	shalt  }
0x69: {  	_ =	shalt  }
0x6a: {  	_ =	shalt  }
0x6b: {  	_ =	shalt  }
0x6c: {  	_ =	shalt  }
0x6d: {  	_ =	shalt  }
0x6e: {  	_ =	shalt  }
0x6f: {  	_ =	shalt  }
0x70: {  	_ =	shalt  }
0x71: {  	_ =	shalt  }
0x72: {  	_ =	shalt  }
0x73: {  	_ =	shalt  }
0x74: {  	_ =	shalt  }
0x75: {  	_ =	shalt  }
0x76: {  	_ =	shalt  }
0x77: {  	_ =	shalt  }
0x78: {  	_ =	shalt  }
0x79: {  	_ =	shalt  }
0x7a: {  	_ =	shalt  }
0x7b: {  	_ =	shalt  }
0x7c: {  	_ =	shalt  }
0x7d: {  	_ =	shalt  }
0x7e: {  	_ =	shalt  }
0x7f: {  	_ =	shalt  }
0x80: {  	_ =	shalt  }
0x81: {  	_ =	shalt  }
0x82: {  	_ =	shalt  }
0x83: {  	_ =	shalt  }
0x84: {  	_ =	shalt  }
0x85: {  	_ =	shalt  }
0x86: {  	_ =	shalt  }
0x87: {  	_ =	shalt  }
.Lfunc_end0:
.L_simem_size_0:
called_computation.3_lowered:
.L_overlay_start_0:
0x88: {  	s2 =	sld [smem:$0x3FD9]  }
0x89: {  	s3 =	sld [smem:$0x3FFE];
	_ =	sdelay $0x1  }
0x8a: {  	s1 =	srdreg.scid  }
0x8b: {  	s0 =	sand.u32 $0x1, s1  }
0x8c: {  	s16 =	sshll.u32 s0, $0xA;
	s2 =	sadd.s32 s3, s2  }
0x8d: {  	s2 =	sadd.s32 s2, s16  }
0x8e: {  	[smem:$0x3FB6] =	sst s2  }
0x8f: {  	_ = 	snop  }
0x90: {  	(tm) =	ssettm $0x1  }
0x91: {  	s17 =	sld [smem:$0x3FFB];
	_ =	sdelay $0x3  }
0x92: {  	_ =	strace s17  }
0x93: {  	s2 =	sld [smem:$0x3FFC];
	_ =	sdelay $0x3  }
0x94: {  	_ =	strace s2  }
0x95: {  	s2 =	sld [smem:$0x3FFD];
	_ =	sdelay $0x3  }
0x96: {  	_ =	strace s2  }
0x97: {  	_ =	strace $0x8FFFFFFF  }
0x98: {  	s18 =	sld [smem:$0x3FDB];
	_ =	sdelay $0x1  }
0x99: {  	s19 =	simm.s32 $_scs_section_size  }
0x9a: {  	s4 =	simm.s32 $_size__tile_overlayer_lowered;
	s5 =	simm.s32 $_tile_overlayer_lowered  }
0x9b: {  	s22 =	simm.s32 $0x1BFF;
	s21 =	sshll.u32 s5, $0x1;
	s2 =	sadd.s32 s19, s18  }
0x9c: {  	s6 =	simm.s32 $0x0;
	s20 =	sshll.u32 s4, $0x1;
	s4 =	sadd.s32 s21, s2  }
0x9d: {  	[timem:s6], [sflag:s22] =	dma.local [hbm:s4], s20  }
0x9e: {  	_ =	swait.ge [sflag:s22], s20  }
0x9f: {  	s3 =	ssub.s32 $0x0, s20;
	[sflag:s22] =	ssyncset.done $0x0  }
0xa0: {  	[sflag:s22] =	ssyncadd.s32 s3;
	_ =	sdelay $0x1  }
0xa1: {  	s23 =	simm.s32 $0x1B8B  }
0xa2: {  	_ =	swait.ge [sflag:s23], $0x1  }
0xa3: {  	[sflag:s23] =	ssyncset.done $0x0  }
0xa4: {  	s25 =	simm.s32 $0x1B8E;
	s24 =	sld [smem:$0x3FFE];
	[sflag:s23] =	ssyncadd.s32 $0xFFFFFFFF  }
0xa5: {  	s26 =	simm.s32 $execute0_lowered;
	[smem:$0x3FD2] =	sst s25  }
0xa6: {  	s4 =	sshll.u32 s26, $0x1;
	_ =	strace $0x8000004F;
	[dreg:$0x1] =	wrdreg $0xFFFFFFFF  }
0xa7: {  	s28 =	simm.s32 $_size_execute0_lowered;
	s2 =	sadd.s32 s2, s4;
	[dreg:$0x0] =	wrdreg $0x0  }
0xa8: {  	s4 =	sshll.u32 s28, $0x1;
	[dreg:$0x2] =	wrdreg s2  }
0xa9: {  	[dreg:$0x3] =	wrdreg s4  }
0xaa: {  	[dreg:$0x4] =	wrdreg $0xC0  }
0xab: {  	_ =	task [dreg:s6], $0x5FFFF  }
0xac: {  	[dreg:$0x1] =	wrdreg $0xFFFFFFFF  }
0xad: {  	[dreg:$0x0] =	wrdreg $0x60  }
0xae: {  	[dreg:$0x2] =	wrdreg s24  }
0xaf: {  	[dreg:$0x3] =	wrdreg $0x9  }
0xb0: {  	_ =	task.clear_ibuf [dreg:s6], $0x4FFFF;
	_ =	strace $0x9000004F  }
0xb1: {  	s29 =	simm.s32 $0x9;
	_ =	strace $0x80000051  }
0xb2: {  	_ =	swait.ge [sflag:s29], $0x1  }
0xb3: {  	[sflag:s29] =	ssyncadd.s32 $0xFFFFFFFF  }
0xb4: {  	_ =	strace $0x90000051  }
0xb5: {  	_ =	sfence  }
0xb6: {  	s30 =	sld [smem:$0x0];
	_ =	sdelay $0x2  }
0xb7: {  	s31 =	sshll.u32 s1, $0xD;
	s1 =	sshrl.u32 s1, $0x2  }
0xb8: {  	s3 =	sand.u32 $0x4000, s31;
	s1 =	sadd.s32 s1, s30  }
0xb9: {  	s0 =	sor.u32 s3, s0;
	s1 =	sshll.u32 s1, $0x11  }
0xba: {  	s0 =	sor.u32 s1, s0  }
0xbb: {  	s0 =	sadd.s32 $0x8F2B, s0  }
0xbc: {  	[sflag:s0] =	ssyncadd.remote.s32 $0x1  }
0xbd: {  	_ =	sfence.sel $0xFFFF  }
0xbe: {  	[dreg:$0x0] =	wrdreg $0xFFFFFFFF;
	(pc) =	sbr.abs _section_cstart, $3  }
0xbf: {  	[dreg:$0x1] =	wrdreg $0xFFFFFFFF  }
0xc0: {  	_ =	task.clear_ibuf [dreg:s6], $0x2FFFF;
	_ =	strace $0x9FFFFFFF  }
0xc1: {  	(tm) =	ssettm $0x7FFFFFFF  }
tec
execute0_lowered:
.L_overlay_start_1:
0x0: {  	(tag) =	ssettag $0x1  }
0x1: {  	s4 =	rddreg [dreg:$0x0]  }
0x2: {  	s1 =	srdreg.scid;
	s0 =	rddreg [dreg:$0x1]  }
0x3: {  	s2 =	simm.s32 $0x0;
	s10 =	simm.s32 $0x5400;
	s11 =	simm.s32 $0x1  }
0x4: {  	s12 =	simm.s32 $0x0;
	s3 =	sand.u32 $0x1, s1;
	s1 =	stileid.u32  }
0x5: {  	[smem:$0x7FF] =	sst s2;
	s5 =	smul.u32 $0xA00000, s3;
	s6 =	sshll.u32 s3, $0x4  }
0x6: {  	s7 =	smul.u32 $0xA0000, s1;
	_ =	strace $0x80000050;
	s30 =	ssub.s32 $0x2, s3  }
0x7: {  	s3 =	sadd.s32 $0x9800, s4;
	s6 =	sor.u32 s1, s6;
	s8 =	sshrl.u32 s30, $0x1  }
0x8: {  	s6 =	smul.u32 $0x280, s6;
	s5 =	sadd.s32 s7, s5;
	s31 =	ssub.s32 s30, s8  }
0x9: {  	s7 =	simm.s32 $0x2;
	s8 =	simm.s32 $0x80;
	s5 =	sshrl.u32 s5, $0x3  }
0xa: {  	s6 =	sadd.s32 s6, s4;
	s9 =	sadd.s32 s5, s4;
	s5 =	smax.u32 s31, $0x1  }
0xb: {  	s4 =	sadd.s32 $0x4800, s6;
	s6 =	sadd.s32 $0x471800, s9;
	s9 =	simm.s32 $0x1400  }
.LBB2_1:
0xc: {  	[tilespmem:s2], [sflag:$0x2] =	stream.linear.gather [hbm4b:s4+s2], $0x1400, $0x38;
	[tilespmem:$0x9400] =	vst v63  }
0xd: {  	_ =	swait.ge [sflag:s7], $0x1400  }
0xe: {  	[sflag:s7] =	ssyncset.done $0x0  }
0xf: {  	s13 =	simm.s32 $0x0;
	[sflag:s7] =	ssyncadd.s32 $0xFFFFEC00  }
0x10: {  	[tilespmem:s9], [sflag:$0x1] =	stream.indirect.gather [hbm4b:s3+s8], $0x80, s13, s8, $0xb8;
	[tilespmem:$0x9400] =	vst v63  }
0x11: {  	_ = 	snop  }
0x12: {  	[tilespmem:s10], [sflag:$0x1] =	stream.indirect.gather [hbm4b:s3+s8], $0x80, s8, s8, $0xb8;
	[tilespmem:$0x9400] =	vst v63  }
0x13: {  	_ =	swait.ge [sflag:s11], $0x4000  }
0x14: {  	[sflag:s11] =	ssyncset.done $0x0  }
0x15: {  	[sflag:s11] =	ssyncadd.s32 $0xFFFFC000  }
0x16: {  	_ =	swait.ge [sflag:s11], $0x4000  }
0x17: {  	[sflag:s11] =	ssyncset.done $0x0  }
0x18: {  	s31 =	sadd.s32 $0x0, s6;
	[sflag:s11] =	ssyncadd.s32 $0xFFFFC000  }
0x19: {  	[hbm4b:s31+s2] =	stream.linear.scatter [tilespmem:s9], [sflag:$0x2], $0x8000, $0x38;
	[tilespmem:$0x9400] =	vst v63  }
0x1a: {  	s15 =	simm.s32 $0x2000;
	_ =	swait.ge [sflag:s7], $0x8000  }
0x1b: {  	s14 =	simm.s32 $0x180;
	s13 =	simm.s32 $0x1000;
	[sflag:s7] =	ssyncset.done $0x0  }
.LBB2_2:
0x1c: {  	p0 =	sne.s32 s15, $0x13000;
	s16 =	sadd.s32 $0xFFFFFF80, s14;
	[sflag:s7] =	ssyncadd.s32 $0xFFFF8000  }
0x1d: {  	[tilespmem:s9], [sflag:$0x1] =	stream.indirect.gather [hbm4b:s3+s8], $0x80, s16, s8, $0xb8;
	[tilespmem:$0x9400] =	vst v63  }
0x1e: {  	s16 =	smov.u32 s15;
	s15 =	sadd.s32 $0x1000, s15  }
0x1f: {  	[tilespmem:s10], [sflag:$0x1] =	stream.indirect.gather [hbm4b:s3+s8], $0x80, s14, s8, $0xb8;
	[tilespmem:$0x9400] =	vst v63  }
0x20: {  	_ =	swait.ge [sflag:s11], $0x4000  }
0x21: {  	[sflag:s11] =	ssyncset.done $0x0  }
0x22: {  	[sflag:s11] =	ssyncadd.s32 $0xFFFFC000  }
0x23: {  	_ =	swait.ge [sflag:s11], $0x4000  }
.Ltmp0:
0x24: {  	[sflag:s11] =	ssyncset.done $0x0;
	(pc) =	sbr.rel @p0 .LBB2_2-.Ltmp0, $4  }
0x25: {  	s17 =	sadd.s32 s13, s6;
	s13 =	smov.u32 s16;
	[sflag:s11] =	ssyncadd.s32 $0xFFFFC000  }
0x26: {  	[hbm4b:s17+s2] =	stream.linear.scatter [tilespmem:s9], [sflag:$0x2], $0x8000, $0x38;
	[tilespmem:$0x9400] =	vst v63  }
0x27: {  	_ =	swait.ge [sflag:s7], $0x8000  }
0x28: {  	s14 =	sadd.s32 $0x100, s14;
	[sflag:s7] =	ssyncset.done $0x0  }
0x29: {  	s15 =	sadd.s32 $0xFFFFFF80, s14;
	[sflag:s7] =	ssyncadd.s32 $0xFFFF8000  }
0x2a: {  	[tilespmem:s9], [sflag:$0x1] =	stream.indirect.gather [hbm4b:s3+s8], $0x80, s15, s8, $0xb8;
	[tilespmem:$0x9400] =	vst v63  }
0x2b: {  	_ = 	snop  }
0x2c: {  	[tilespmem:s10], [sflag:$0x1] =	stream.indirect.gather [hbm4b:s3+s8], $0x80, s14, s8, $0xb8;
	[tilespmem:$0x9400] =	vst v63  }
0x2d: {  	_ =	swait.ge [sflag:s11], $0x4000  }
0x2e: {  	[sflag:s11] =	ssyncset.done $0x0  }
0x2f: {  	[sflag:s11] =	ssyncadd.s32 $0xFFFFC000  }
0x30: {  	s12 =	sadd.s32 $0x1, s12;
	_ =	swait.ge [sflag:s11], $0x4000  }
0x31: {  	p0 =	sne.s32 s12, s5;
	[sflag:s11] =	ssyncset.done $0x0  }
.Ltmp1:
0x32: {  	s13 =	sadd.s32 s13, s6;
	[sflag:s11] =	ssyncadd.s32 $0xFFFFC000;
	(pc) =	sbr.rel @p0 .LBB2_1-.Ltmp1, $4  }
0x33: {  	[hbm4b:s13+s2] =	stream.linear.scatter [tilespmem:s9], [sflag:$0x2], $0x8000, $0x38;
	[tilespmem:$0x9400] =	vst v63  }
0x34: {  	_ =	swait.ge [sflag:s7], $0x8000  }
0x35: {  	[sflag:s7] =	ssyncset.done $0x0  }
0x36: {  	[sflag:s7] =	ssyncadd.s32 $0xFFFF8000  }
0x37: {  	_ =	sfence.sel $0x180000  }
0x38: {  	[bflag:$0x0] =	sbarrier.arrive $0xFFFF  }
0x39: {  	p0 =	sne.s32 s1, $0x0;
	_ =	strace $0x90000050  }
0x3a: {  	s0 =	sadd.s32 @!p0 $0x100000, s0;
	[bflag:$0x2] =	sbarrier.arrive $0xFFFF  }
0x3b: {  	[sflag:s0] =	ssyncadd.tile.s32 @!p0 $0x1;
	_ =	shalt  }
.Lfunc_end2:
_tile_overlayer_lowered:
.L_overlay_start_2:
0x3c: {  	(tag) =	ssettag $0x2  }
0x3d: {  	s0 =	rddreg [dreg:$0x0];
	s2 =	stileid.u32  }
0x3e: {  	s1 =	rddreg [dreg:$0x1];
	p0 =	sne.s32 s2, $0x0  }
0x3f: {  	s3 =	rddreg [dreg:$0x2];
	[bflag:$0x3] =	sbarrier.arrive $0xFFFF;
	s2 =	simm.s32 @!p0 $0x1C02  }
0x40: {  	[timem:s3], [sflag:s2] =	dma.local @!p0 [hbm:s0], s1  }
0x41: {  	s0 =	simm.s32 @!p0 $0x2  }
0x42: {  	_ =	swait.ge @!p0 [sflag:s0], s1  }
0x43: {  	s1 =	ssub.s32 @!p0 $0x0, s1;
	[sflag:s0] =	ssyncset.done @!p0 $0x0  }
0x44: {  	[sflag:s0] =	ssyncadd.s32 @!p0 s1  }
0x45: {  	[bflag:$0x3] =	sbarrier.arrive $0xFFFF  }
0x46: {  	_ =	shalt  }

// kernel: kernel.25.cloned.1.call-start
scs
__scs_entry_jumppad:
0x0: {  	(pc) =	sbr.rel $0x88, $3  }
0x1: {  	(tag) =	ssettag $0x0;
	lr =	simm.s32 $0x1  }
0x2: {  	[smem:$0x3F8F] =	sst lr;
	_ =	strace $0xD0000000  }
0x3: {  	_ = 	snop  }
0x4: {  	_ = 	snop  }
0x5: {  	_ = 	snop  }
0x6: {  	_ = 	snop  }
0x7: {  	_ = 	snop  }
__scs_overlays_trampoline_lowered:
0x8: {  	[smem:$0x3F9E] =	sst s0  }
0x9: {  	[smem:$0x3F9F] =	sst s1  }
0xa: {  	[smem:$0x3FA0] =	sst s2  }
0xb: {  	[smem:$0x3FA1] =	sst s3  }
0xc: {  	[smem:$0x3FA2] =	sst s4  }
0xd: {  	[smem:$0x3FA3] =	sst s5  }
0xe: {  	[smem:$0x3FA4] =	sst s6  }
0xf: {  	[smem:$0x3FA5] =	sst s7  }
0x10: {  	[smem:$0x3FA6] =	sst s8  }
0x11: {  	[smem:$0x3FA7] =	sst s9;
	s0 =	simm.s32 @!p0 $0x0  }
0x12: {  	s1 =	sld [smem:$0x3F8D];
	s0 =	simm.s32 @p0 $0x1  }
0x13: {  	[smem:$0x3FA8] =	sst s0;
	s0 =	simm.s32 @!p1 $0x0  }
0x14: {  	s2 =	sld [smem:$0x3F8C];
	s0 =	simm.s32 @p1 $0x1  }
0x15: {  	[smem:$0x3FA9] =	sst s0;
	s0 =	simm.s32 @!p2 $0x0  }
0x16: {  	s3 =	sld [smem:$0x3FDB];
	s0 =	simm.s32 @p2 $0x1  }
0x17: {  	s4 =	simm.s32 $0x1BF5;
	[smem:$0x3FAB] =	sst s0  }
0x18: {  	s0 =	sld [smem:$0x3F8E];
	_ =	swait.ge [sflag:s4], $0x0  }
0x19: {  	s7 =	sld [smem:$0x3F8F]  }
0x1a: {  	s8 =	sadd.s32 $0xFFFFE003, lr  }
0x1b: {  	s9 =	sadd.s32 $0xFFFFFEF7, lr;
	s5 =	simm.s32 $0xFFFFFFFF;
	p2 =	slt.u32 s8, $0xFFFFF086  }
0x1c: {  	p1 =	slt.u32 s9, $0xF7A;
	s5 =	simm.s32 @!p2 $0x0  }
0x1d: {  	s5 =	simm.s32 @p1 $0x1;
	p0 =	seq.s32 s7, s2  }
0x1e: {  	s7 =	smul.u32 @!p0 $0xF7A, s2;
	p2 =	seq.s32 @!p0 s5, $0x0  }
0x1f: {  	s9 =	smul.u32 $0xF7A, s1;
	s8 =	simm.s32 @!p0 $0x1BF5;
	p2 =	por !p2, p0  }
0x20: {  	[sflag:s8] =	ssyncset.s32 @!p0 $0xFFFFF086;
	s6 =	sadd.s32 @!p0 s3, s7;
	s7 =	simm.s32 @!p0 $0x108  }
0x21: {  	s3 =	sadd.s32 s3, s9;
	s6 =	sadd.s32 @!p0 $0x88, s6;
	s7 =	simm.s32 @p2 $0x1082  }
0x22: {  	[simem:s7], [sflag:s8] =	dma.local @!p0 [hbm:s6], $0xF7A  }
0x23: {  	s9 =	sor.u32 $0xD0000000, s2;
	s6 =	simm.s32 $0x108;
	_ =	swait.ge @!p0 [sflag:s8], $0x0  }
0x24: {  	s3 =	sadd.s32 $0x88, s3;
	s6 =	simm.s32 @!p1 $0x1082;
	[sflag:s4] =	ssyncset.s32 $0xFFFFF086  }
0x25: {  	[simem:s6], [sflag:s4] =	dma.local [hbm:s3], $0xF7A  }
0x26: {  	[smem:$0x3F8F] =	sst s1;
	(tag) =	ssettag s2;
	_ =	strace s9  }
0x27: {  	s1 =	sld [smem:$0x3F9F]  }
0x28: {  	s2 =	sld [smem:$0x3FA0]  }
0x29: {  	s4 =	sld [smem:$0x3FA2]  }
0x2a: {  	p0 =	seq.s32 s5, $0x0;
	s5 =	sld [smem:$0x3FA3]  }
0x2b: {  	s6 =	sld [smem:$0x3FA4]  }
0x2c: {  	s7 =	sld [smem:$0x3FA5]  }
0x2d: {  	s3 =	simm.s32 $0x108;
	s8 =	sld [smem:$0x3FA6]  }
0x2e: {  	s3 =	simm.s32 @!p0 $0x1082;
	s9 =	sld [smem:$0x3FA7]  }
0x2f: {  	lr =	sadd.s32 s0, s3;
	s0 =	sld [smem:$0x3F9E]  }
0x30: {  	s3 =	sld [smem:$0x3FA1]  }
0x31: {  	[smem:$0x3FAA] =	sst s10  }
0x32: {  	s10 =	sld [smem:$0x3FA8];
	_ =	sdelay $0x3  }
0x33: {  	p0 =	seq.s32 s10, $0x1;
	s10 =	sld [smem:$0x3FAA];
	_ =	sdelay $0x3  }
0x34: {  	[smem:$0x3FAA] =	sst s10  }
0x35: {  	s10 =	sld [smem:$0x3FA9];
	_ =	sdelay $0x3  }
0x36: {  	p1 =	seq.s32 s10, $0x1;
	s10 =	sld [smem:$0x3FAA];
	_ =	sdelay $0x3  }
0x37: {  	[smem:$0x3FAA] =	sst s10  }
0x38: {  	s10 =	sld [smem:$0x3FAB]  }
0x39: {  	_ = 	snop;
	(pc) =	sbr.ind lr, $3  }
0x3a: {  	_ = 	snop  }
0x3b: {  	_ = 	snop  }
0x3c: {  	p2 =	seq.s32 s10, $0x1;
	s10 =	sld [smem:$0x3FAA]  }
0x3d: {  	_ =	shalt  }
0x3e: {  	_ =	shalt  }
0x3f: {  	_ =	shalt  }
0x40: {  	_ =	shalt  }
0x41: {  	_ =	shalt  }
0x42: {  	_ =	shalt  }
0x43: {  	_ =	shalt  }
0x44: {  	_ =	shalt  }
0x45: {  	_ =	shalt  }
0x46: {  	_ =	shalt  }
0x47: {  	_ =	shalt  }
0x48: {  	_ =	shalt  }
0x49: {  	_ =	shalt  }
0x4a: {  	_ =	shalt  }
0x4b: {  	_ =	shalt  }
0x4c: {  	_ =	shalt  }
0x4d: {  	_ =	shalt  }
0x4e: {  	_ =	shalt  }
0x4f: {  	_ =	shalt  }
0x50: {  	_ =	shalt  }
0x51: {  	_ =	shalt  }
0x52: {  	_ =	shalt  }
0x53: {  	_ =	shalt  }
0x54: {  	_ =	shalt  }
0x55: {  	_ =	shalt  }
0x56: {  	_ =	shalt  }
0x57: {  	_ =	shalt  }
0x58: {  	_ =	shalt  }
0x59: {  	_ =	shalt  }
0x5a: {  	_ =	shalt  }
0x5b: {  	_ =	shalt  }
0x5c: {  	_ =	shalt  }
0x5d: {  	_ =	shalt  }
0x5e: {  	_ =	shalt  }
0x5f: {  	_ =	shalt  }
0x60: {  	_ =	shalt  }
0x61: {  	_ =	shalt  }
0x62: {  	_ =	shalt  }
0x63: {  	_ =	shalt  }
0x64: {  	_ =	shalt  }
0x65: {  	_ =	shalt  }
0x66: {  	_ =	shalt  }
0x67: {  	_ =	shalt  }
0x68: {  	_ =	shalt  }
0x69: {  	_ =	shalt  }
0x6a: {  	_ =	shalt  }
0x6b: {  	_ =	shalt  }
0x6c: {  	_ =	shalt  }
0x6d: {  	_ =	shalt  }
0x6e: {  	_ =	shalt  }
0x6f: {  	_ =	shalt  }
0x70: {  	_ =	shalt  }
0x71: {  	_ =	shalt  }
0x72: {  	_ =	shalt  }
0x73: {  	_ =	shalt  }
0x74: {  	_ =	shalt  }
0x75: {  	_ =	shalt  }
0x76: {  	_ =	shalt  }
0x77: {  	_ =	shalt  }
0x78: {  	_ =	shalt  }
0x79: {  	_ =	shalt  }
0x7a: {  	_ =	shalt  }
0x7b: {  	_ =	shalt  }
0x7c: {  	_ =	shalt  }
0x7d: {  	_ =	shalt  }
0x7e: {  	_ =	shalt  }
0x7f: {  	_ =	shalt  }
0x80: {  	_ =	shalt  }
0x81: {  	_ =	shalt  }
0x82: {  	_ =	shalt  }
0x83: {  	_ =	shalt  }
0x84: {  	_ =	shalt  }
0x85: {  	_ =	shalt  }
0x86: {  	_ =	shalt  }
0x87: {  	_ =	shalt  }
.Lfunc_end0:
.L_simem_size_0:
called_computation.4_lowered:
.L_overlay_start_0:
0x88: {  	s2 =	sld [smem:$0x3FD9]  }
0x89: {  	s3 =	sld [smem:$0x3FFE];
	_ =	sdelay $0x1  }
0x8a: {  	s1 =	srdreg.scid  }
0x8b: {  	s0 =	sand.u32 $0x1, s1  }
0x8c: {  	s16 =	sshll.u32 s0, $0xA;
	s2 =	sadd.s32 s3, s2  }
0x8d: {  	s2 =	sadd.s32 s2, s16  }
0x8e: {  	[smem:$0x3FB6] =	sst s2  }
0x8f: {  	_ = 	snop  }
0x90: {  	(tm) =	ssettm $0x1  }
0x91: {  	s17 =	sld [smem:$0x3FFB];
	_ =	sdelay $0x3  }
0x92: {  	_ =	strace s17  }
0x93: {  	s2 =	sld [smem:$0x3FFC];
	_ =	sdelay $0x3  }
0x94: {  	_ =	strace s2  }
0x95: {  	s2 =	sld [smem:$0x3FFD];
	_ =	sdelay $0x3  }
0x96: {  	_ =	strace s2  }
0x97: {  	_ =	strace $0x8FFFFFFF  }
0x98: {  	s18 =	sld [smem:$0x3FDB];
	_ =	sdelay $0x1  }
0x99: {  	s19 =	simm.s32 $_scs_section_size  }
0x9a: {  	s4 =	simm.s32 $_size__tile_overlayer_lowered;
	s5 =	simm.s32 $_tile_overlayer_lowered  }
0x9b: {  	s22 =	simm.s32 $0x1BFF;
	s21 =	sshll.u32 s5, $0x1;
	s2 =	sadd.s32 s19, s18  }
0x9c: {  	s6 =	simm.s32 $0x0;
	s20 =	sshll.u32 s4, $0x1;
	s4 =	sadd.s32 s21, s2  }
0x9d: {  	[timem:s6], [sflag:s22] =	dma.local [hbm:s4], s20  }
0x9e: {  	_ =	swait.ge [sflag:s22], s20  }
0x9f: {  	s3 =	ssub.s32 $0x0, s20;
	[sflag:s22] =	ssyncset.done $0x0  }
0xa0: {  	[sflag:s22] =	ssyncadd.s32 s3;
	_ =	sdelay $0x1  }
0xa1: {  	s23 =	simm.s32 $0x1B8B  }
0xa2: {  	_ =	swait.ge [sflag:s23], $0x1  }
0xa3: {  	[sflag:s23] =	ssyncset.done $0x0  }
0xa4: {  	s25 =	simm.s32 $0x1B8E;
	s24 =	sld [smem:$0x3FFE];
	[sflag:s23] =	ssyncadd.s32 $0xFFFFFFFF  }
0xa5: {  	s26 =	simm.s32 $execute0_lowered;
	[smem:$0x3FD2] =	sst s25  }
0xa6: {  	s4 =	sshll.u32 s26, $0x1;
	_ =	strace $0x80000052;
	[dreg:$0x1] =	wrdreg $0xFFFFFFFF  }
0xa7: {  	s28 =	simm.s32 $_size_execute0_lowered;
	s2 =	sadd.s32 s2, s4;
	[dreg:$0x0] =	wrdreg $0x0  }
0xa8: {  	s4 =	sshll.u32 s28, $0x1;
	[dreg:$0x2] =	wrdreg s2  }
0xa9: {  	[dreg:$0x3] =	wrdreg s4  }
0xaa: {  	[dreg:$0x4] =	wrdreg $0xC0  }
0xab: {  	_ =	task [dreg:s6], $0x5FFFF  }
0xac: {  	[dreg:$0x1] =	wrdreg $0xFFFFFFFF  }
0xad: {  	[dreg:$0x0] =	wrdreg $0x60  }
0xae: {  	[dreg:$0x2] =	wrdreg s24  }
0xaf: {  	[dreg:$0x3] =	wrdreg $0x94000  }
0xb0: {  	[dreg:$0x4] =	wrdreg $0x9  }
0xb1: {  	_ =	task.clear_ibuf [dreg:s6], $0x5FFFF;
	_ =	strace $0x90000052  }
0xb2: {  	s29 =	simm.s32 $0x9;
	_ =	strace $0x80000054  }
0xb3: {  	_ =	swait.ge [sflag:s29], $0x1  }
0xb4: {  	[sflag:s29] =	ssyncadd.s32 $0xFFFFFFFF  }
0xb5: {  	_ =	strace $0x90000054  }
0xb6: {  	_ =	sfence  }
0xb7: {  	s30 =	sld [smem:$0x0];
	_ =	sdelay $0x2  }
0xb8: {  	s31 =	sshll.u32 s1, $0xD;
	s1 =	sshrl.u32 s1, $0x2  }
0xb9: {  	s3 =	sand.u32 $0x4000, s31;
	s1 =	sadd.s32 s1, s30  }
0xba: {  	s0 =	sor.u32 s3, s0;
	s1 =	sshll.u32 s1, $0x11  }
0xbb: {  	s0 =	sor.u32 s1, s0  }
0xbc: {  	s0 =	sadd.s32 $0x8F2B, s0  }
0xbd: {  	[sflag:s0] =	ssyncadd.remote.s32 $0x1  }
0xbe: {  	_ =	sfence.sel $0xFFFF  }
0xbf: {  	[dreg:$0x0] =	wrdreg $0xFFFFFFFF;
	(pc) =	sbr.abs _section_cstart, $3  }
0xc0: {  	[dreg:$0x1] =	wrdreg $0xFFFFFFFF  }
0xc1: {  	_ =	task.clear_ibuf [dreg:s6], $0x2FFFF;
	_ =	strace $0x9FFFFFFF  }
0xc2: {  	(tm) =	ssettm $0x7FFFFFFF  }
0xc3: {  	_ =	shalt  }
tec
execute0_lowered:
.L_overlay_start_1:
0x0: {  	(tag) =	ssettag $0x1  }
0x1: {  	s0 =	srdreg.scid;
	s4 =	rddreg [dreg:$0x0]  }
0x2: {  	s2 =	rddreg [dreg:$0x1];
	s5 =	sand.u32 $0x1, s0  }
0x3: {  	s0 =	stileid.u32;
	s6 =	smul.u32 $0xA00000, s5  }
0x4: {  	s3 =	simm.s32 $0x0;
	s13 =	simm.s32 $0x80;
	s7 =	smul.u32 $0xA0000, s0  }
0x5: {  	s14 =	simm.s32 $0x5400;
	s15 =	simm.s32 $0x1;
	s25 =	smul.u32 $0x14000, s0  }
0x6: {  	s16 =	simm.s32 $0x0;
	[smem:$0x7FF] =	sst s3;
	s9 =	smul.u32 $0x140000, s5  }
0x7: {  	s1 =	sshll.u32 s5, $0x4;
	s5 =	ssub.s32 $0x2, s5;
	s29 =	smul.u32 $0x50000, s0  }
0x8: {  	s31 =	sshll.u32 s0, $0x6;
	s8 =	sor.u32 s0, s1;
	s1 =	rddreg [dreg:$0x2]  }
0x9: {  	_ =	strace $0x80000053;
	s11 =	sshrl.u32 s5, $0x1;
	s8 =	smul.u32 $0x280, s8  }
0xa: {  	s6 =	sadd.s32 s7, s6;
	s28 =	sshrl.u32 s25, $0x3;
	s7 =	sadd.s32 s25, s9  }
0xb: {  	s11 =	ssub.s32 s5, s11;
	s30 =	sshrl.u32 s29, $0x2;
	s9 =	simm.s32 $0x2  }
0xc: {  	s6 =	sshrl.u32 s6, $0x3;
	s7 =	sshrl.u32 s7, $0x3;
	s12 =	sadd.s32 s30, s2  }
0xd: {  	s10 =	sadd.s32 s6, s4;
	s26 =	sadd.s32 s8, s4;
	s8 =	sadd.s32 s28, s4  }
0xe: {  	s7 =	sadd.s32 s7, s4;
	s4 =	sadd.s32 $0x2B1800, s26;
	s5 =	sadd.s32 $0x2B6800, s8  }
0xf: {  	s6 =	sadd.s32 $0xA9800, s7;
	s7 =	smax.u32 s11, $0x1;
	s8 =	sadd.s32 $0x6F1800, s10  }
0x10: {  	s10 =	sor.u32 $0x1C02, s31;
	s11 =	sshrl.u32 s12, $0x3;
	s12 =	simm.s32 $0x1400  }
.LBB2_1:
0x11: {  	[tilespmem:s3], [sflag:$0x2] =	stream.linear.gather [hbm4b:s4+s3], $0x1400, $0x38;
	[tilespmem:$0xE400] =	vst v63  }
0x12: {  	_ =	swait.ge [sflag:s9], $0x1400  }
0x13: {  	[sflag:s9] =	ssyncset.done $0x0  }
0x14: {  	[sflag:s9] =	ssyncadd.s32 $0xFFFFEC00  }
0x15: {  	[spmem:s11], [sflag:s10] =	dma.local [hbm:s5], $0x2800  }
0x16: {  	_ =	swait.ge [sflag:s9], $0x2800  }
0x17: {  	[sflag:s9] =	ssyncset.done $0x0  }
0x18: {  	[sflag:s9] =	ssyncadd.s32 $0xFFFFD800  }
0x19: {  	s17 =	sadd.s32 $0x0, s8;
	[bflag:$0x0] =	sbarrier.arrive $0xFFFF  }
0x1a: {  	[tilespmem:s12], [sflag:$0x2] =	stream.linear.gather [hbm4b:s17+s3], $0x8000, $0x38;
	[tilespmem:$0xE400] =	vst v63  }
0x1b: {  	_ =	swait.ge [sflag:s9], $0x8000  }
0x1c: {  	[sflag:s9] =	ssyncset.done $0x0  }
0x1d: {  	s31 =	simm.s32 $0x0;
	[sflag:s9] =	ssyncadd.s32 $0xFFFF8000  }
0x1e: {  	[spmem:s2] =	stream.indirect.scatter.add.f32 [tilespmem:s12], [sflag:$0x1], $0x20, s31, s13, $0xb8;
	[tilespmem:$0xE400] =	vst v63  }
0x1f: {  	_ = 	snop  }
0x20: {  	[spmem:s2] =	stream.indirect.scatter.add.f32 [tilespmem:s14], [sflag:$0x1], $0x20, s13, s13, $0xb8;
	[tilespmem:$0xE400] =	vst v63  }
0x21: {  	_ =	swait.ge [sflag:s15], $0x1000  }
0x22: {  	[sflag:s15] =	ssyncset.done $0x0  }
0x23: {  	[sflag:s15] =	ssyncadd.s32 $0xFFFFF000  }
0x24: {  	s18 =	simm.s32 $0x1000;
	_ =	swait.ge [sflag:s15], $0x1000  }
0x25: {  	s19 =	simm.s32 $0x2000;
	s17 =	simm.s32 $0x180;
	[sflag:s15] =	ssyncset.done $0x0  }
.LBB2_2:
0x26: {  	s20 =	sadd.s32 s18, s8  }
0x27: {  	[sflag:s15] =	ssyncadd.s32 $0xFFFFF000;
	s18 =	smov.u32 s19;
	s21 =	sadd.s32 $0x1000, s19  }
0x28: {  	[tilespmem:s12], [sflag:$0x2] =	stream.linear.gather [hbm4b:s20+s3], $0x8000, $0x38;
	[tilespmem:$0xE400] =	vst v63  }
0x29: {  	p0 =	sne.s32 s19, $0x13000;
	_ =	swait.ge [sflag:s9], $0x8000  }
0x2a: {  	[sflag:s9] =	ssyncset.done $0x0  }
0x2b: {  	s19 =	sadd.s32 $0xFFFFFF80, s17;
	[sflag:s9] =	ssyncadd.s32 $0xFFFF8000  }
0x2c: {  	[spmem:s2] =	stream.indirect.scatter.add.f32 [tilespmem:s12], [sflag:$0x1], $0x20, s19, s13, $0xb8;
	[tilespmem:$0xE400] =	vst v63  }
0x2d: {  	_ = 	snop  }
0x2e: {  	[spmem:s2] =	stream.indirect.scatter.add.f32 [tilespmem:s14], [sflag:$0x1], $0x20, s17, s13, $0xb8;
	[tilespmem:$0xE400] =	vst v63  }
.Ltmp0:
0x2f: {  	_ =	swait.ge [sflag:s15], $0x1000;
	(pc) =	sbr.rel @p0 .LBB2_2-.Ltmp0, $4  }
0x30: {  	[sflag:s15] =	ssyncset.done $0x0  }
0x31: {  	[sflag:s15] =	ssyncadd.s32 $0xFFFFF000  }
0x32: {  	_ =	swait.ge [sflag:s15], $0x1000  }
0x33: {  	s19 =	smov.u32 s21;
	s17 =	sadd.s32 $0x100, s17;
	[sflag:s15] =	ssyncset.done $0x0  }
0x34: {  	s18 =	sadd.s32 s18, s8;
	[sflag:s15] =	ssyncadd.s32 $0xFFFFF000  }
0x35: {  	[tilespmem:s12], [sflag:$0x2] =	stream.linear.gather [hbm4b:s18+s3], $0x8000, $0x38;
	[tilespmem:$0xE400] =	vst v63  }
0x36: {  	_ =	swait.ge [sflag:s9], $0x8000  }
0x37: {  	[sflag:s9] =	ssyncset.done $0x0  }
0x38: {  	s31 =	sadd.s32 $0xFFFFFF80, s17;
	[sflag:s9] =	ssyncadd.s32 $0xFFFF8000  }
0x39: {  	[spmem:s2] =	stream.indirect.scatter.add.f32 [tilespmem:s12], [sflag:$0x1], $0x20, s31, s13, $0xb8;
	[tilespmem:$0xE400] =	vst v63  }
0x3a: {  	_ = 	snop  }
0x3b: {  	[spmem:s2] =	stream.indirect.scatter.add.f32 [tilespmem:s14], [sflag:$0x1], $0x20, s17, s13, $0xb8;
	[tilespmem:$0xE400] =	vst v63  }
0x3c: {  	_ =	swait.ge [sflag:s15], $0x1000  }
0x3d: {  	[sflag:s15] =	ssyncset.done $0x0  }
0x3e: {  	[sflag:s15] =	ssyncadd.s32 $0xFFFFF000  }
0x3f: {  	_ =	swait.ge [sflag:s15], $0x1000  }
0x40: {  	s16 =	sadd.s32 $0x1, s16;
	[sflag:s15] =	ssyncset.done $0x0  }
0x41: {  	p0 =	sne.s32 s16, s7;
	[sflag:s15] =	ssyncadd.s32 $0xFFFFF000  }
.Ltmp1:
0x42: {  	[bflag:$0x0] =	sbarrier.arrive $0xFFFF;
	(pc) =	sbr.rel @p0 .LBB2_1-.Ltmp1, $4  }
0x43: {  	[hbm:s6], [sflag:s10] =	dma.local [spmem:s11], $0x2800  }
0x44: {  	_ =	swait.ge [sflag:s9], $0x2800  }
0x45: {  	[sflag:s9] =	ssyncset.done $0x0  }
0x46: {  	[sflag:s9] =	ssyncadd.s32 $0xFFFFD800  }
0x47: {  	_ =	sfence.sel $0x180000  }
0x48: {  	[bflag:$0x0] =	sbarrier.arrive $0xFFFF  }
0x49: {  	p0 =	sne.s32 s0, $0x0;
	_ =	strace $0x90000053  }
0x4a: {  	s0 =	sadd.s32 @!p0 $0x100000, s1;
	[bflag:$0x2] =	sbarrier.arrive $0xFFFF  }
0x4b: {  	[sflag:s0] =	ssyncadd.tile.s32 @!p0 $0x1;
	_ =	shalt  }
.Lfunc_end2:
_tile_overlayer_lowered:
.L_overlay_start_2:
0x4c: {  	(tag) =	ssettag $0x2  }
0x4d: {  	s0 =	rddreg [dreg:$0x0];
	s2 =	stileid.u32  }
0x4e: {  	s1 =	rddreg [dreg:$0x1];
	p0 =	sne.s32 s2, $0x0  }
0x4f: {  	s3 =	rddreg [dreg:$0x2];
	[bflag:$0x3] =	sbarrier.arrive $0xFFFF;
	s2 =	simm.s32 @!p0 $0x1C02  }
0x50: {  	[timem:s3], [sflag:s2] =	dma.local @!p0 [hbm:s0], s1  }
0x51: {  	s0 =	simm.s32 @!p0 $0x2  }
0x52: {  	_ =	swait.ge @!p0 [sflag:s0], s1  }
0x53: {  	s1 =	ssub.s32 @!p0 $0x0, s1;
	[sflag:s0] =	ssyncset.done @!p0 $0x0  }
0x54: {  	[sflag:s0] =	ssyncadd.s32 @!p0 s1  }
0x55: {  	[bflag:$0x3] =	sbarrier.arrive $0xFFFF  }
0x56: {  	_ =	shalt  }

</sc_bundles>
